<compile_context>
chip_gen: v7x
topology: tpu7x:2x2x1
jax: 0.10.2.dev20260603
libtpu: 0.0.44.dev20260713+nightly
codegen_flags: <defaults>
</compile_context>

<pallas_src>
import functools

import jax
import jax.numpy as jnp
from jax import lax
from jax.experimental import pallas as pl
from jax.experimental.pallas import tpu as pltpu
from jax.experimental.pallas import tpu_sc as plsc

_NC, _NS, _L = 2, 16, 16
_NW = _NC * _NS
_B, _F = 16384, 26
_R = _B // _NW


def _body(idxT_hbm, w_hbm, out_hbm, *s):
    idxs = s[0:_F]
    vals = s[_F:2 * _F]
    out_v = s[2 * _F]
    sem = s[2 * _F + 1]
    sem_idx = s[2 * _F + 2]
    wid = lax.axis_index("s") * _NC + lax.axis_index("c")
    col0 = pl.multiple_of(wid * _R, _R)
    icps = [
        pltpu.async_copy(idxT_hbm.at[f, pl.ds(col0, _R)], idxs[f], sem_idx)
        for f in range(_F)
    ]
    gcps = []
    for f in range(_F):
        icps[f].wait()
        gcps.append(pltpu.async_copy(w_hbm.at[idxs[f]], vals[f], sem))

    _H = _F // 2
    for c in gcps[:_H]:
        c.wait()

    def red1(j, c):
        base = pl.multiple_of(j * _L, _L)
        acc = vals[0][pl.ds(base, _L)]
        for f in range(1, _H):
            acc = acc + vals[f][pl.ds(base, _L)]
        out_v[pl.ds(base, _L)] = acc
        return c

    lax.fori_loop(0, _R // _L, red1, 0)

    for c in gcps[_H:]:
        c.wait()

    def red2(j, c):
        base = pl.multiple_of(j * _L, _L)
        acc = out_v[pl.ds(base, _L)]
        for f in range(_H, _F):
            acc = acc + vals[f][pl.ds(base, _L)]
        out_v[pl.ds(base, _L)] = acc
        return c

    lax.fori_loop(0, _R // _L, red2, 0)
    pltpu.sync_copy(out_v, out_hbm.at[pl.ds(col0, _R)])


_sc_call = pl.kernel(
    _body,
    out_type=jax.ShapeDtypeStruct((_B,), jnp.float32),
    mesh=plsc.VectorSubcoreMesh(
        core_axis_name="c", subcore_axis_name="s",
        num_cores=_NC, num_subcores=_NS,
    ),
    scratch_types=(
        [pltpu.VMEM((_R,), jnp.int32) for _ in range(_F)]
        + [pltpu.VMEM((_R,), jnp.float32) for _ in range(_F)]
        + [pltpu.VMEM((_R,), jnp.float32),
           pltpu.SemaphoreType.DMA, pltpu.SemaphoreType.DMA]
    ),
    compiler_params=pltpu.CompilerParams(needs_layout_passes=False),
)


@jax.jit
def kernel(inputs, w):
    idxT = inputs.astype(jnp.int32).T
    w_pad = jnp.pad(w.T, ((0, 0), (0, 448))).reshape(-1)
    return _sc_call(idxT, w_pad).reshape(_B, 1)

# --- scband reference (transcript-rebuilt; emitter-appended) ---
"""Pipeline reference for scband-my-linear-13632226197882 (READ-ONLY COPY).

The authoritative reference and input builder live on the scoring server;
editing this copy changes nothing except your own understanding.
"""

import jax, jax.numpy as jnp
import numpy as np


def setup_inputs(seed: int = 0) -> dict:
    key = jax.random.key(seed)
    k1, k2 = jax.random.split(key)
    inputs = jax.random.randint(k1, (16384, 26), 0, 1000000, dtype=jnp.int64)
    w = jax.random.normal(k2, (1000000, 1), dtype=jnp.float32) * 0.01
    return {"inputs": inputs, "w": w}


def reference(inputs, w):
    # tf.nn.embedding_lookup(w, inputs) -> [B, F, 1]; reduce_sum over axis=1 -> [B, 1]
    emb = jnp.take(w, inputs, axis=0)
    result = jnp.sum(emb, axis=1)
    return result

if __name__ == "__main__":
    import jax
    _d = setup_inputs()
    print(jax.jit(kernel)(*tuple(_d.values())))

</pallas_src>

<mosaic_0001>
#map = affine_map<(d0, d1) -> (0, 0)>
#map1 = affine_map<(d0, d1) -> (0)>
module attributes {stable_mosaic.version = 14 : i64} {
  func.func @_body(%arg0: i32, %arg1: i32, %arg2: memref<26x16384xi32, #tpu.memory_space<hbm>>, %arg3: memref<1000448xf32, #tpu.memory_space<hbm>>, %arg4: memref<16384xf32, #tpu.memory_space<hbm>>, %arg5: memref<512xi32, #tpu.memory_space<vmem>>, %arg6: memref<512xi32, #tpu.memory_space<vmem>>, %arg7: memref<512xi32, #tpu.memory_space<vmem>>, %arg8: memref<512xi32, #tpu.memory_space<vmem>>, %arg9: memref<512xi32, #tpu.memory_space<vmem>>, %arg10: memref<512xi32, #tpu.memory_space<vmem>>, %arg11: memref<512xi32, #tpu.memory_space<vmem>>, %arg12: memref<512xi32, #tpu.memory_space<vmem>>, %arg13: memref<512xi32, #tpu.memory_space<vmem>>, %arg14: memref<512xi32, #tpu.memory_space<vmem>>, %arg15: memref<512xi32, #tpu.memory_space<vmem>>, %arg16: memref<512xi32, #tpu.memory_space<vmem>>, %arg17: memref<512xi32, #tpu.memory_space<vmem>>, %arg18: memref<512xi32, #tpu.memory_space<vmem>>, %arg19: memref<512xi32, #tpu.memory_space<vmem>>, %arg20: memref<512xi32, #tpu.memory_space<vmem>>, %arg21: memref<512xi32, #tpu.memory_space<vmem>>, %arg22: memref<512xi32, #tpu.memory_space<vmem>>, %arg23: memref<512xi32, #tpu.memory_space<vmem>>, %arg24: memref<512xi32, #tpu.memory_space<vmem>>, %arg25: memref<512xi32, #tpu.memory_space<vmem>>, %arg26: memref<512xi32, #tpu.memory_space<vmem>>, %arg27: memref<512xi32, #tpu.memory_space<vmem>>, %arg28: memref<512xi32, #tpu.memory_space<vmem>>, %arg29: memref<512xi32, #tpu.memory_space<vmem>>, %arg30: memref<512xi32, #tpu.memory_space<vmem>>, %arg31: memref<512xf32, #tpu.memory_space<vmem>>, %arg32: memref<512xf32, #tpu.memory_space<vmem>>, %arg33: memref<512xf32, #tpu.memory_space<vmem>>, %arg34: memref<512xf32, #tpu.memory_space<vmem>>, %arg35: memref<512xf32, #tpu.memory_space<vmem>>, %arg36: memref<512xf32, #tpu.memory_space<vmem>>, %arg37: memref<512xf32, #tpu.memory_space<vmem>>, %arg38: memref<512xf32, #tpu.memory_space<vmem>>, %arg39: memref<512xf32, #tpu.memory_space<vmem>>, %arg40: memref<512xf32, #tpu.memory_space<vmem>>, %arg41: memref<512xf32, #tpu.memory_space<vmem>>, %arg42: memref<512xf32, #tpu.memory_space<vmem>>, %arg43: memref<512xf32, #tpu.memory_space<vmem>>, %arg44: memref<512xf32, #tpu.memory_space<vmem>>, %arg45: memref<512xf32, #tpu.memory_space<vmem>>, %arg46: memref<512xf32, #tpu.memory_space<vmem>>, %arg47: memref<512xf32, #tpu.memory_space<vmem>>, %arg48: memref<512xf32, #tpu.memory_space<vmem>>, %arg49: memref<512xf32, #tpu.memory_space<vmem>>, %arg50: memref<512xf32, #tpu.memory_space<vmem>>, %arg51: memref<512xf32, #tpu.memory_space<vmem>>, %arg52: memref<512xf32, #tpu.memory_space<vmem>>, %arg53: memref<512xf32, #tpu.memory_space<vmem>>, %arg54: memref<512xf32, #tpu.memory_space<vmem>>, %arg55: memref<512xf32, #tpu.memory_space<vmem>>, %arg56: memref<512xf32, #tpu.memory_space<vmem>>, %arg57: memref<512xf32, #tpu.memory_space<vmem>>, %arg58: memref<!tpu.dma_semaphore, #tpu.memory_space<semaphore_mem>>, %arg59: memref<!tpu.dma_semaphore, #tpu.memory_space<semaphore_mem>>) attributes {dimension_semantics = [#tpu.dimension_semantics<core_parallel>, #tpu.dimension_semantics<subcore_parallel>], iteration_bounds = array<i64: 2, 16>, scalar_prefetch = 0 : i64, scratch_operands = 55 : i64, tpu.core_type = #tpu.core_type<sc_vector_subcore>, window_params = [{transform_indices = #map}, {transform_indices = #map1}, {transform_indices = #map1}]} {
    %mul3A = arith.constant 2 : i32
    %mul3A_0 = arith.muli %arg1, %mul3A : i32
    %add3A = arith.addi %mul3A_0, %arg0 : i32
    %mul3A_1 = arith.constant 512 : i32
    %mul3A_2 = arith.muli %add3A, %mul3A_1 : i32
    %multiple_of3A = tpu.assume_multiple %mul3A_2, 512 : i32
    %dma_start3A = arith.constant 0 : i32
    %dma_start3A_3 = tpu.memref_slice %arg2[%dma_start3A, %multiple_of3A] : memref<26x16384xi32, #tpu.memory_space<hbm>> -> memref<1x512xi32, #tpu.memory_space<hbm>>
    %dma_start3A_4 = tpu.memref_squeeze %dma_start3A_3 : memref<1x512xi32, #tpu.memory_space<hbm>> -> memref<512xi32, #tpu.memory_space<hbm>>
    %dma_start3A_5 = tpu.memref_slice %arg2[%dma_start3A, %multiple_of3A] : memref<26x16384xi32, #tpu.memory_space<hbm>> -> memref<1x512xi32, #tpu.memory_space<hbm>>
    %dma_start3A_6 = tpu.memref_squeeze %dma_start3A_5 : memref<1x512xi32, #tpu.memory_space<hbm>> -> memref<512xi32, #tpu.memory_space<hbm>>
    tpu.enqueue_dma source(%dma_start3A_6 : memref<512xi32, #tpu.memory_space<hbm>>) target(%arg5 : memref<512xi32, #tpu.memory_space<vmem>>) target_semaphore(%arg59 : memref<!tpu.dma_semaphore, #tpu.memory_space<semaphore_mem>>)
    %dma_start3A_7 = arith.constant 1 : i32
    %dma_start3A_8 = tpu.memref_slice %arg2[%dma_start3A_7, %multiple_of3A] : memref<26x16384xi32, #tpu.memory_space<hbm>> -> memref<1x512xi32, #tpu.memory_space<hbm>>
    %dma_start3A_9 = tpu.memref_squeeze %dma_start3A_8 : memref<1x512xi32, #tpu.memory_space<hbm>> -> memref<512xi32, #tpu.memory_space<hbm>>
    %dma_start3A_10 = tpu.memref_slice %arg2[%dma_start3A_7, %multiple_of3A] : memref<26x16384xi32, #tpu.memory_space<hbm>> -> memref<1x512xi32, #tpu.memory_space<hbm>>
    %dma_start3A_11 = tpu.memref_squeeze %dma_start3A_10 : memref<1x512xi32, #tpu.memory_space<hbm>> -> memref<512xi32, #tpu.memory_space<hbm>>
    tpu.enqueue_dma source(%dma_start3A_11 : memref<512xi32, #tpu.memory_space<hbm>>) target(%arg6 : memref<512xi32, #tpu.memory_space<vmem>>) target_semaphore(%arg59 : memref<!tpu.dma_semaphore, #tpu.memory_space<semaphore_mem>>)
    %dma_start3A_12 = arith.constant 2 : i32
    %dma_start3A_13 = tpu.memref_slice %arg2[%dma_start3A_12, %multiple_of3A] : memref<26x16384xi32, #tpu.memory_space<hbm>> -> memref<1x512xi32, #tpu.memory_space<hbm>>
    %dma_start3A_14 = tpu.memref_squeeze %dma_start3A_13 : memref<1x512xi32, #tpu.memory_space<hbm>> -> memref<512xi32, #tpu.memory_space<hbm>>
    %dma_start3A_15 = tpu.memref_slice %arg2[%dma_start3A_12, %multiple_of3A] : memref<26x16384xi32, #tpu.memory_space<hbm>> -> memref<1x512xi32, #tpu.memory_space<hbm>>
    %dma_start3A_16 = tpu.memref_squeeze %dma_start3A_15 : memref<1x512xi32, #tpu.memory_space<hbm>> -> memref<512xi32, #tpu.memory_space<hbm>>
    tpu.enqueue_dma source(%dma_start3A_16 : memref<512xi32, #tpu.memory_space<hbm>>) target(%arg7 : memref<512xi32, #tpu.memory_space<vmem>>) target_semaphore(%arg59 : memref<!tpu.dma_semaphore, #tpu.memory_space<semaphore_mem>>)
    %dma_start3A_17 = arith.constant 3 : i32
    %dma_start3A_18 = tpu.memref_slice %arg2[%dma_start3A_17, %multiple_of3A] : memref<26x16384xi32, #tpu.memory_space<hbm>> -> memref<1x512xi32, #tpu.memory_space<hbm>>
    %dma_start3A_19 = tpu.memref_squeeze %dma_start3A_18 : memref<1x512xi32, #tpu.memory_space<hbm>> -> memref<512xi32, #tpu.memory_space<hbm>>
    %dma_start3A_20 = tpu.memref_slice %arg2[%dma_start3A_17, %multiple_of3A] : memref<26x16384xi32, #tpu.memory_space<hbm>> -> memref<1x512xi32, #tpu.memory_space<hbm>>
    %dma_start3A_21 = tpu.memref_squeeze %dma_start3A_20 : memref<1x512xi32, #tpu.memory_space<hbm>> -> memref<512xi32, #tpu.memory_space<hbm>>
    tpu.enqueue_dma source(%dma_start3A_21 : memref<512xi32, #tpu.memory_space<hbm>>) target(%arg8 : memref<512xi32, #tpu.memory_space<vmem>>) target_semaphore(%arg59 : memref<!tpu.dma_semaphore, #tpu.memory_space<semaphore_mem>>)
    %dma_start3A_22 = arith.constant 4 : i32
    %dma_start3A_23 = tpu.memref_slice %arg2[%dma_start3A_22, %multiple_of3A] : memref<26x16384xi32, #tpu.memory_space<hbm>> -> memref<1x512xi32, #tpu.memory_space<hbm>>
    %dma_start3A_24 = tpu.memref_squeeze %dma_start3A_23 : memref<1x512xi32, #tpu.memory_space<hbm>> -> memref<512xi32, #tpu.memory_space<hbm>>
    %dma_start3A_25 = tpu.memref_slice %arg2[%dma_start3A_22, %multiple_of3A] : memref<26x16384xi32, #tpu.memory_space<hbm>> -> memref<1x512xi32, #tpu.memory_space<hbm>>
    %dma_start3A_26 = tpu.memref_squeeze %dma_start3A_25 : memref<1x512xi32, #tpu.memory_space<hbm>> -> memref<512xi32, #tpu.memory_space<hbm>>
    tpu.enqueue_dma source(%dma_start3A_26 : memref<512xi32, #tpu.memory_space<hbm>>) target(%arg9 : memref<512xi32, #tpu.memory_space<vmem>>) target_semaphore(%arg59 : memref<!tpu.dma_semaphore, #tpu.memory_space<semaphore_mem>>)
    %dma_start3A_27 = arith.constant 5 : i32
    %dma_start3A_28 = tpu.memref_slice %arg2[%dma_start3A_27, %multiple_of3A] : memref<26x16384xi32, #tpu.memory_space<hbm>> -> memref<1x512xi32, #tpu.memory_space<hbm>>
    %dma_start3A_29 = tpu.memref_squeeze %dma_start3A_28 : memref<1x512xi32, #tpu.memory_space<hbm>> -> memref<512xi32, #tpu.memory_space<hbm>>
    %dma_start3A_30 = tpu.memref_slice %arg2[%dma_start3A_27, %multiple_of3A] : memref<26x16384xi32, #tpu.memory_space<hbm>> -> memref<1x512xi32, #tpu.memory_space<hbm>>
    %dma_start3A_31 = tpu.memref_squeeze %dma_start3A_30 : memref<1x512xi32, #tpu.memory_space<hbm>> -> memref<512xi32, #tpu.memory_space<hbm>>
    tpu.enqueue_dma source(%dma_start3A_31 : memref<512xi32, #tpu.memory_space<hbm>>) target(%arg10 : memref<512xi32, #tpu.memory_space<vmem>>) target_semaphore(%arg59 : memref<!tpu.dma_semaphore, #tpu.memory_space<semaphore_mem>>)
    %dma_start3A_32 = arith.constant 6 : i32
    %dma_start3A_33 = tpu.memref_slice %arg2[%dma_start3A_32, %multiple_of3A] : memref<26x16384xi32, #tpu.memory_space<hbm>> -> memref<1x512xi32, #tpu.memory_space<hbm>>
    %dma_start3A_34 = tpu.memref_squeeze %dma_start3A_33 : memref<1x512xi32, #tpu.memory_space<hbm>> -> memref<512xi32, #tpu.memory_space<hbm>>
    %dma_start3A_35 = tpu.memref_slice %arg2[%dma_start3A_32, %multiple_of3A] : memref<26x16384xi32, #tpu.memory_space<hbm>> -> memref<1x512xi32, #tpu.memory_space<hbm>>
    %dma_start3A_36 = tpu.memref_squeeze %dma_start3A_35 : memref<1x512xi32, #tpu.memory_space<hbm>> -> memref<512xi32, #tpu.memory_space<hbm>>
    tpu.enqueue_dma source(%dma_start3A_36 : memref<512xi32, #tpu.memory_space<hbm>>) target(%arg11 : memref<512xi32, #tpu.memory_space<vmem>>) target_semaphore(%arg59 : memref<!tpu.dma_semaphore, #tpu.memory_space<semaphore_mem>>)
    %dma_start3A_37 = arith.constant 7 : i32
    %dma_start3A_38 = tpu.memref_slice %arg2[%dma_start3A_37, %multiple_of3A] : memref<26x16384xi32, #tpu.memory_space<hbm>> -> memref<1x512xi32, #tpu.memory_space<hbm>>
    %dma_start3A_39 = tpu.memref_squeeze %dma_start3A_38 : memref<1x512xi32, #tpu.memory_space<hbm>> -> memref<512xi32, #tpu.memory_space<hbm>>
    %dma_start3A_40 = tpu.memref_slice %arg2[%dma_start3A_37, %multiple_of3A] : memref<26x16384xi32, #tpu.memory_space<hbm>> -> memref<1x512xi32, #tpu.memory_space<hbm>>
    %dma_start3A_41 = tpu.memref_squeeze %dma_start3A_40 : memref<1x512xi32, #tpu.memory_space<hbm>> -> memref<512xi32, #tpu.memory_space<hbm>>
    tpu.enqueue_dma source(%dma_start3A_41 : memref<512xi32, #tpu.memory_space<hbm>>) target(%arg12 : memref<512xi32, #tpu.memory_space<vmem>>) target_semaphore(%arg59 : memref<!tpu.dma_semaphore, #tpu.memory_space<semaphore_mem>>)
    %dma_start3A_42 = arith.constant 8 : i32
    %dma_start3A_43 = tpu.memref_slice %arg2[%dma_start3A_42, %multiple_of3A] : memref<26x16384xi32, #tpu.memory_space<hbm>> -> memref<1x512xi32, #tpu.memory_space<hbm>>
    %dma_start3A_44 = tpu.memref_squeeze %dma_start3A_43 : memref<1x512xi32, #tpu.memory_space<hbm>> -> memref<512xi32, #tpu.memory_space<hbm>>
    %dma_start3A_45 = tpu.memref_slice %arg2[%dma_start3A_42, %multiple_of3A] : memref<26x16384xi32, #tpu.memory_space<hbm>> -> memref<1x512xi32, #tpu.memory_space<hbm>>
    %dma_start3A_46 = tpu.memref_squeeze %dma_start3A_45 : memref<1x512xi32, #tpu.memory_space<hbm>> -> memref<512xi32, #tpu.memory_space<hbm>>
    tpu.enqueue_dma source(%dma_start3A_46 : memref<512xi32, #tpu.memory_space<hbm>>) target(%arg13 : memref<512xi32, #tpu.memory_space<vmem>>) target_semaphore(%arg59 : memref<!tpu.dma_semaphore, #tpu.memory_space<semaphore_mem>>)
    %dma_start3A_47 = arith.constant 9 : i32
    %dma_start3A_48 = tpu.memref_slice %arg2[%dma_start3A_47, %multiple_of3A] : memref<26x16384xi32, #tpu.memory_space<hbm>> -> memref<1x512xi32, #tpu.memory_space<hbm>>
    %dma_start3A_49 = tpu.memref_squeeze %dma_start3A_48 : memref<1x512xi32, #tpu.memory_space<hbm>> -> memref<512xi32, #tpu.memory_space<hbm>>
    %dma_start3A_50 = tpu.memref_slice %arg2[%dma_start3A_47, %multiple_of3A] : memref<26x16384xi32, #tpu.memory_space<hbm>> -> memref<1x512xi32, #tpu.memory_space<hbm>>
    %dma_start3A_51 = tpu.memref_squeeze %dma_start3A_50 : memref<1x512xi32, #tpu.memory_space<hbm>> -> memref<512xi32, #tpu.memory_space<hbm>>
    tpu.enqueue_dma source(%dma_start3A_51 : memref<512xi32, #tpu.memory_space<hbm>>) target(%arg14 : memref<512xi32, #tpu.memory_space<vmem>>) target_semaphore(%arg59 : memref<!tpu.dma_semaphore, #tpu.memory_space<semaphore_mem>>)
    %dma_start3A_52 = arith.constant 10 : i32
    %dma_start3A_53 = tpu.memref_slice %arg2[%dma_start3A_52, %multiple_of3A] : memref<26x16384xi32, #tpu.memory_space<hbm>> -> memref<1x512xi32, #tpu.memory_space<hbm>>
    %dma_start3A_54 = tpu.memref_squeeze %dma_start3A_53 : memref<1x512xi32, #tpu.memory_space<hbm>> -> memref<512xi32, #tpu.memory_space<hbm>>
    %dma_start3A_55 = tpu.memref_slice %arg2[%dma_start3A_52, %multiple_of3A] : memref<26x16384xi32, #tpu.memory_space<hbm>> -> memref<1x512xi32, #tpu.memory_space<hbm>>
    %dma_start3A_56 = tpu.memref_squeeze %dma_start3A_55 : memref<1x512xi32, #tpu.memory_space<hbm>> -> memref<512xi32, #tpu.memory_space<hbm>>
    tpu.enqueue_dma source(%dma_start3A_56 : memref<512xi32, #tpu.memory_space<hbm>>) target(%arg15 : memref<512xi32, #tpu.memory_space<vmem>>) target_semaphore(%arg59 : memref<!tpu.dma_semaphore, #tpu.memory_space<semaphore_mem>>)
    %dma_start3A_57 = arith.constant 11 : i32
    %dma_start3A_58 = tpu.memref_slice %arg2[%dma_start3A_57, %multiple_of3A] : memref<26x16384xi32, #tpu.memory_space<hbm>> -> memref<1x512xi32, #tpu.memory_space<hbm>>
    %dma_start3A_59 = tpu.memref_squeeze %dma_start3A_58 : memref<1x512xi32, #tpu.memory_space<hbm>> -> memref<512xi32, #tpu.memory_space<hbm>>
    %dma_start3A_60 = tpu.memref_slice %arg2[%dma_start3A_57, %multiple_of3A] : memref<26x16384xi32, #tpu.memory_space<hbm>> -> memref<1x512xi32, #tpu.memory_space<hbm>>
    %dma_start3A_61 = tpu.memref_squeeze %dma_start3A_60 : memref<1x512xi32, #tpu.memory_space<hbm>> -> memref<512xi32, #tpu.memory_space<hbm>>
    tpu.enqueue_dma source(%dma_start3A_61 : memref<512xi32, #tpu.memory_space<hbm>>) target(%arg16 : memref<512xi32, #tpu.memory_space<vmem>>) target_semaphore(%arg59 : memref<!tpu.dma_semaphore, #tpu.memory_space<semaphore_mem>>)
    %dma_start3A_62 = arith.constant 12 : i32
    %dma_start3A_63 = tpu.memref_slice %arg2[%dma_start3A_62, %multiple_of3A] : memref<26x16384xi32, #tpu.memory_space<hbm>> -> memref<1x512xi32, #tpu.memory_space<hbm>>
    %dma_start3A_64 = tpu.memref_squeeze %dma_start3A_63 : memref<1x512xi32, #tpu.memory_space<hbm>> -> memref<512xi32, #tpu.memory_space<hbm>>
    %dma_start3A_65 = tpu.memref_slice %arg2[%dma_start3A_62, %multiple_of3A] : memref<26x16384xi32, #tpu.memory_space<hbm>> -> memref<1x512xi32, #tpu.memory_space<hbm>>
    %dma_start3A_66 = tpu.memref_squeeze %dma_start3A_65 : memref<1x512xi32, #tpu.memory_space<hbm>> -> memref<512xi32, #tpu.memory_space<hbm>>
    tpu.enqueue_dma source(%dma_start3A_66 : memref<512xi32, #tpu.memory_space<hbm>>) target(%arg17 : memref<512xi32, #tpu.memory_space<vmem>>) target_semaphore(%arg59 : memref<!tpu.dma_semaphore, #tpu.memory_space<semaphore_mem>>)
    %dma_start3A_67 = arith.constant 13 : i32
    %dma_start3A_68 = tpu.memref_slice %arg2[%dma_start3A_67, %multiple_of3A] : memref<26x16384xi32, #tpu.memory_space<hbm>> -> memref<1x512xi32, #tpu.memory_space<hbm>>
    %dma_start3A_69 = tpu.memref_squeeze %dma_start3A_68 : memref<1x512xi32, #tpu.memory_space<hbm>> -> memref<512xi32, #tpu.memory_space<hbm>>
    %dma_start3A_70 = tpu.memref_slice %arg2[%dma_start3A_67, %multiple_of3A] : memref<26x16384xi32, #tpu.memory_space<hbm>> -> memref<1x512xi32, #tpu.memory_space<hbm>>
    %dma_start3A_71 = tpu.memref_squeeze %dma_start3A_70 : memref<1x512xi32, #tpu.memory_space<hbm>> -> memref<512xi32, #tpu.memory_space<hbm>>
    tpu.enqueue_dma source(%dma_start3A_71 : memref<512xi32, #tpu.memory_space<hbm>>) target(%arg18 : memref<512xi32, #tpu.memory_space<vmem>>) target_semaphore(%arg59 : memref<!tpu.dma_semaphore, #tpu.memory_space<semaphore_mem>>)
    %dma_start3A_72 = arith.constant 14 : i32
    %dma_start3A_73 = tpu.memref_slice %arg2[%dma_start3A_72, %multiple_of3A] : memref<26x16384xi32, #tpu.memory_space<hbm>> -> memref<1x512xi32, #tpu.memory_space<hbm>>
    %dma_start3A_74 = tpu.memref_squeeze %dma_start3A_73 : memref<1x512xi32, #tpu.memory_space<hbm>> -> memref<512xi32, #tpu.memory_space<hbm>>
    %dma_start3A_75 = tpu.memref_slice %arg2[%dma_start3A_72, %multiple_of3A] : memref<26x16384xi32, #tpu.memory_space<hbm>> -> memref<1x512xi32, #tpu.memory_space<hbm>>
    %dma_start3A_76 = tpu.memref_squeeze %dma_start3A_75 : memref<1x512xi32, #tpu.memory_space<hbm>> -> memref<512xi32, #tpu.memory_space<hbm>>
    tpu.enqueue_dma source(%dma_start3A_76 : memref<512xi32, #tpu.memory_space<hbm>>) target(%arg19 : memref<512xi32, #tpu.memory_space<vmem>>) target_semaphore(%arg59 : memref<!tpu.dma_semaphore, #tpu.memory_space<semaphore_mem>>)
    %dma_start3A_77 = arith.constant 15 : i32
    %dma_start3A_78 = tpu.memref_slice %arg2[%dma_start3A_77, %multiple_of3A] : memref<26x16384xi32, #tpu.memory_space<hbm>> -> memref<1x512xi32, #tpu.memory_space<hbm>>
    %dma_start3A_79 = tpu.memref_squeeze %dma_start3A_78 : memref<1x512xi32, #tpu.memory_space<hbm>> -> memref<512xi32, #tpu.memory_space<hbm>>
    %dma_start3A_80 = tpu.memref_slice %arg2[%dma_start3A_77, %multiple_of3A] : memref<26x16384xi32, #tpu.memory_space<hbm>> -> memref<1x512xi32, #tpu.memory_space<hbm>>
    %dma_start3A_81 = tpu.memref_squeeze %dma_start3A_80 : memref<1x512xi32, #tpu.memory_space<hbm>> -> memref<512xi32, #tpu.memory_space<hbm>>
    tpu.enqueue_dma source(%dma_start3A_81 : memref<512xi32, #tpu.memory_space<hbm>>) target(%arg20 : memref<512xi32, #tpu.memory_space<vmem>>) target_semaphore(%arg59 : memref<!tpu.dma_semaphore, #tpu.memory_space<semaphore_mem>>)
    %dma_start3A_82 = arith.constant 16 : i32
    %dma_start3A_83 = tpu.memref_slice %arg2[%dma_start3A_82, %multiple_of3A] : memref<26x16384xi32, #tpu.memory_space<hbm>> -> memref<1x512xi32, #tpu.memory_space<hbm>>
    %dma_start3A_84 = tpu.memref_squeeze %dma_start3A_83 : memref<1x512xi32, #tpu.memory_space<hbm>> -> memref<512xi32, #tpu.memory_space<hbm>>
    %dma_start3A_85 = tpu.memref_slice %arg2[%dma_start3A_82, %multiple_of3A] : memref<26x16384xi32, #tpu.memory_space<hbm>> -> memref<1x512xi32, #tpu.memory_space<hbm>>
    %dma_start3A_86 = tpu.memref_squeeze %dma_start3A_85 : memref<1x512xi32, #tpu.memory_space<hbm>> -> memref<512xi32, #tpu.memory_space<hbm>>
    tpu.enqueue_dma source(%dma_start3A_86 : memref<512xi32, #tpu.memory_space<hbm>>) target(%arg21 : memref<512xi32, #tpu.memory_space<vmem>>) target_semaphore(%arg59 : memref<!tpu.dma_semaphore, #tpu.memory_space<semaphore_mem>>)
    %dma_start3A_87 = arith.constant 17 : i32
    %dma_start3A_88 = tpu.memref_slice %arg2[%dma_start3A_87, %multiple_of3A] : memref<26x16384xi32, #tpu.memory_space<hbm>> -> memref<1x512xi32, #tpu.memory_space<hbm>>
    %dma_start3A_89 = tpu.memref_squeeze %dma_start3A_88 : memref<1x512xi32, #tpu.memory_space<hbm>> -> memref<512xi32, #tpu.memory_space<hbm>>
    %dma_start3A_90 = tpu.memref_slice %arg2[%dma_start3A_87, %multiple_of3A] : memref<26x16384xi32, #tpu.memory_space<hbm>> -> memref<1x512xi32, #tpu.memory_space<hbm>>
    %dma_start3A_91 = tpu.memref_squeeze %dma_start3A_90 : memref<1x512xi32, #tpu.memory_space<hbm>> -> memref<512xi32, #tpu.memory_space<hbm>>
    tpu.enqueue_dma source(%dma_start3A_91 : memref<512xi32, #tpu.memory_space<hbm>>) target(%arg22 : memref<512xi32, #tpu.memory_space<vmem>>) target_semaphore(%arg59 : memref<!tpu.dma_semaphore, #tpu.memory_space<semaphore_mem>>)
    %dma_start3A_92 = arith.constant 18 : i32
    %dma_start3A_93 = tpu.memref_slice %arg2[%dma_start3A_92, %multiple_of3A] : memref<26x16384xi32, #tpu.memory_space<hbm>> -> memref<1x512xi32, #tpu.memory_space<hbm>>
    %dma_start3A_94 = tpu.memref_squeeze %dma_start3A_93 : memref<1x512xi32, #tpu.memory_space<hbm>> -> memref<512xi32, #tpu.memory_space<hbm>>
    %dma_start3A_95 = tpu.memref_slice %arg2[%dma_start3A_92, %multiple_of3A] : memref<26x16384xi32, #tpu.memory_space<hbm>> -> memref<1x512xi32, #tpu.memory_space<hbm>>
    %dma_start3A_96 = tpu.memref_squeeze %dma_start3A_95 : memref<1x512xi32, #tpu.memory_space<hbm>> -> memref<512xi32, #tpu.memory_space<hbm>>
    tpu.enqueue_dma source(%dma_start3A_96 : memref<512xi32, #tpu.memory_space<hbm>>) target(%arg23 : memref<512xi32, #tpu.memory_space<vmem>>) target_semaphore(%arg59 : memref<!tpu.dma_semaphore, #tpu.memory_space<semaphore_mem>>)
    %dma_start3A_97 = arith.constant 19 : i32
    %dma_start3A_98 = tpu.memref_slice %arg2[%dma_start3A_97, %multiple_of3A] : memref<26x16384xi32, #tpu.memory_space<hbm>> -> memref<1x512xi32, #tpu.memory_space<hbm>>
    %dma_start3A_99 = tpu.memref_squeeze %dma_start3A_98 : memref<1x512xi32, #tpu.memory_space<hbm>> -> memref<512xi32, #tpu.memory_space<hbm>>
    %dma_start3A_100 = tpu.memref_slice %arg2[%dma_start3A_97, %multiple_of3A] : memref<26x16384xi32, #tpu.memory_space<hbm>> -> memref<1x512xi32, #tpu.memory_space<hbm>>
    %dma_start3A_101 = tpu.memref_squeeze %dma_start3A_100 : memref<1x512xi32, #tpu.memory_space<hbm>> -> memref<512xi32, #tpu.memory_space<hbm>>
    tpu.enqueue_dma source(%dma_start3A_101 : memref<512xi32, #tpu.memory_space<hbm>>) target(%arg24 : memref<512xi32, #tpu.memory_space<vmem>>) target_semaphore(%arg59 : memref<!tpu.dma_semaphore, #tpu.memory_space<semaphore_mem>>)
    %dma_start3A_102 = arith.constant 20 : i32
    %dma_start3A_103 = tpu.memref_slice %arg2[%dma_start3A_102, %multiple_of3A] : memref<26x16384xi32, #tpu.memory_space<hbm>> -> memref<1x512xi32, #tpu.memory_space<hbm>>
    %dma_start3A_104 = tpu.memref_squeeze %dma_start3A_103 : memref<1x512xi32, #tpu.memory_space<hbm>> -> memref<512xi32, #tpu.memory_space<hbm>>
    %dma_start3A_105 = tpu.memref_slice %arg2[%dma_start3A_102, %multiple_of3A] : memref<26x16384xi32, #tpu.memory_space<hbm>> -> memref<1x512xi32, #tpu.memory_space<hbm>>
    %dma_start3A_106 = tpu.memref_squeeze %dma_start3A_105 : memref<1x512xi32, #tpu.memory_space<hbm>> -> memref<512xi32, #tpu.memory_space<hbm>>
    tpu.enqueue_dma source(%dma_start3A_106 : memref<512xi32, #tpu.memory_space<hbm>>) target(%arg25 : memref<512xi32, #tpu.memory_space<vmem>>) target_semaphore(%arg59 : memref<!tpu.dma_semaphore, #tpu.memory_space<semaphore_mem>>)
    %dma_start3A_107 = arith.constant 21 : i32
    %dma_start3A_108 = tpu.memref_slice %arg2[%dma_start3A_107, %multiple_of3A] : memref<26x16384xi32, #tpu.memory_space<hbm>> -> memref<1x512xi32, #tpu.memory_space<hbm>>
    %dma_start3A_109 = tpu.memref_squeeze %dma_start3A_108 : memref<1x512xi32, #tpu.memory_space<hbm>> -> memref<512xi32, #tpu.memory_space<hbm>>
    %dma_start3A_110 = tpu.memref_slice %arg2[%dma_start3A_107, %multiple_of3A] : memref<26x16384xi32, #tpu.memory_space<hbm>> -> memref<1x512xi32, #tpu.memory_space<hbm>>
    %dma_start3A_111 = tpu.memref_squeeze %dma_start3A_110 : memref<1x512xi32, #tpu.memory_space<hbm>> -> memref<512xi32, #tpu.memory_space<hbm>>
    tpu.enqueue_dma source(%dma_start3A_111 : memref<512xi32, #tpu.memory_space<hbm>>) target(%arg26 : memref<512xi32, #tpu.memory_space<vmem>>) target_semaphore(%arg59 : memref<!tpu.dma_semaphore, #tpu.memory_space<semaphore_mem>>)
    %dma_start3A_112 = arith.constant 22 : i32
    %dma_start3A_113 = tpu.memref_slice %arg2[%dma_start3A_112, %multiple_of3A] : memref<26x16384xi32, #tpu.memory_space<hbm>> -> memref<1x512xi32, #tpu.memory_space<hbm>>
    %dma_start3A_114 = tpu.memref_squeeze %dma_start3A_113 : memref<1x512xi32, #tpu.memory_space<hbm>> -> memref<512xi32, #tpu.memory_space<hbm>>
    %dma_start3A_115 = tpu.memref_slice %arg2[%dma_start3A_112, %multiple_of3A] : memref<26x16384xi32, #tpu.memory_space<hbm>> -> memref<1x512xi32, #tpu.memory_space<hbm>>
    %dma_start3A_116 = tpu.memref_squeeze %dma_start3A_115 : memref<1x512xi32, #tpu.memory_space<hbm>> -> memref<512xi32, #tpu.memory_space<hbm>>
    tpu.enqueue_dma source(%dma_start3A_116 : memref<512xi32, #tpu.memory_space<hbm>>) target(%arg27 : memref<512xi32, #tpu.memory_space<vmem>>) target_semaphore(%arg59 : memref<!tpu.dma_semaphore, #tpu.memory_space<semaphore_mem>>)
    %dma_start3A_117 = arith.constant 23 : i32
    %dma_start3A_118 = tpu.memref_slice %arg2[%dma_start3A_117, %multiple_of3A] : memref<26x16384xi32, #tpu.memory_space<hbm>> -> memref<1x512xi32, #tpu.memory_space<hbm>>
    %dma_start3A_119 = tpu.memref_squeeze %dma_start3A_118 : memref<1x512xi32, #tpu.memory_space<hbm>> -> memref<512xi32, #tpu.memory_space<hbm>>
    %dma_start3A_120 = tpu.memref_slice %arg2[%dma_start3A_117, %multiple_of3A] : memref<26x16384xi32, #tpu.memory_space<hbm>> -> memref<1x512xi32, #tpu.memory_space<hbm>>
    %dma_start3A_121 = tpu.memref_squeeze %dma_start3A_120 : memref<1x512xi32, #tpu.memory_space<hbm>> -> memref<512xi32, #tpu.memory_space<hbm>>
    tpu.enqueue_dma source(%dma_start3A_121 : memref<512xi32, #tpu.memory_space<hbm>>) target(%arg28 : memref<512xi32, #tpu.memory_space<vmem>>) target_semaphore(%arg59 : memref<!tpu.dma_semaphore, #tpu.memory_space<semaphore_mem>>)
    %dma_start3A_122 = arith.constant 24 : i32
    %dma_start3A_123 = tpu.memref_slice %arg2[%dma_start3A_122, %multiple_of3A] : memref<26x16384xi32, #tpu.memory_space<hbm>> -> memref<1x512xi32, #tpu.memory_space<hbm>>
    %dma_start3A_124 = tpu.memref_squeeze %dma_start3A_123 : memref<1x512xi32, #tpu.memory_space<hbm>> -> memref<512xi32, #tpu.memory_space<hbm>>
    %dma_start3A_125 = tpu.memref_slice %arg2[%dma_start3A_122, %multiple_of3A] : memref<26x16384xi32, #tpu.memory_space<hbm>> -> memref<1x512xi32, #tpu.memory_space<hbm>>
    %dma_start3A_126 = tpu.memref_squeeze %dma_start3A_125 : memref<1x512xi32, #tpu.memory_space<hbm>> -> memref<512xi32, #tpu.memory_space<hbm>>
    tpu.enqueue_dma source(%dma_start3A_126 : memref<512xi32, #tpu.memory_space<hbm>>) target(%arg29 : memref<512xi32, #tpu.memory_space<vmem>>) target_semaphore(%arg59 : memref<!tpu.dma_semaphore, #tpu.memory_space<semaphore_mem>>)
    %dma_start3A_127 = arith.constant 25 : i32
    %dma_start3A_128 = tpu.memref_slice %arg2[%dma_start3A_127, %multiple_of3A] : memref<26x16384xi32, #tpu.memory_space<hbm>> -> memref<1x512xi32, #tpu.memory_space<hbm>>
    %dma_start3A_129 = tpu.memref_squeeze %dma_start3A_128 : memref<1x512xi32, #tpu.memory_space<hbm>> -> memref<512xi32, #tpu.memory_space<hbm>>
    %dma_start3A_130 = tpu.memref_slice %arg2[%dma_start3A_127, %multiple_of3A] : memref<26x16384xi32, #tpu.memory_space<hbm>> -> memref<1x512xi32, #tpu.memory_space<hbm>>
    %dma_start3A_131 = tpu.memref_squeeze %dma_start3A_130 : memref<1x512xi32, #tpu.memory_space<hbm>> -> memref<512xi32, #tpu.memory_space<hbm>>
    tpu.enqueue_dma source(%dma_start3A_131 : memref<512xi32, #tpu.memory_space<hbm>>) target(%arg30 : memref<512xi32, #tpu.memory_space<vmem>>) target_semaphore(%arg59 : memref<!tpu.dma_semaphore, #tpu.memory_space<semaphore_mem>>)
    %dma_wait3A = arith.constant 0 : i32
    %dma_wait3A_132 = tpu.memref_slice %arg2[%dma_wait3A, %multiple_of3A] : memref<26x16384xi32, #tpu.memory_space<hbm>> -> memref<1x512xi32, #tpu.memory_space<hbm>>
    %dma_wait3A_133 = tpu.memref_squeeze %dma_wait3A_132 : memref<1x512xi32, #tpu.memory_space<hbm>> -> memref<512xi32, #tpu.memory_space<hbm>>
    %dma_wait3A_134 = tpu.memref_slice %arg2[%dma_wait3A, %multiple_of3A] : memref<26x16384xi32, #tpu.memory_space<hbm>> -> memref<1x512xi32, #tpu.memory_space<hbm>>
    %dma_wait3A_135 = tpu.memref_squeeze %dma_wait3A_134 : memref<1x512xi32, #tpu.memory_space<hbm>> -> memref<512xi32, #tpu.memory_space<hbm>>
    tpu.wait_dma2 semaphore(%arg59 : memref<!tpu.dma_semaphore, #tpu.memory_space<semaphore_mem>>) src(%dma_wait3A_135 : memref<512xi32, #tpu.memory_space<hbm>>) dst(%arg5 : memref<512xi32, #tpu.memory_space<vmem>>)
    %dma_start3A_136 = arith.constant 0 : i32
    %dma_start3A_137 = tpu.memref_slice %arg3[%dma_start3A_136] : memref<1000448xf32, #tpu.memory_space<hbm>> -> memref<1000448xf32, #tpu.memory_space<hbm>>
    tpu.enqueue_indirect_dma source(%dma_start3A_137 : memref<1000448xf32, #tpu.memory_space<hbm>>) target(%arg31 : memref<512xf32, #tpu.memory_space<vmem>>) offsets(%arg5 : memref<512xi32, #tpu.memory_space<vmem>>) semaphore(%arg58 : memref<!tpu.dma_semaphore, #tpu.memory_space<semaphore_mem>>)
    %dma_wait3A_138 = arith.constant 1 : i32
    %dma_wait3A_139 = tpu.memref_slice %arg2[%dma_wait3A_138, %multiple_of3A] : memref<26x16384xi32, #tpu.memory_space<hbm>> -> memref<1x512xi32, #tpu.memory_space<hbm>>
    %dma_wait3A_140 = tpu.memref_squeeze %dma_wait3A_139 : memref<1x512xi32, #tpu.memory_space<hbm>> -> memref<512xi32, #tpu.memory_space<hbm>>
    %dma_wait3A_141 = tpu.memref_slice %arg2[%dma_wait3A_138, %multiple_of3A] : memref<26x16384xi32, #tpu.memory_space<hbm>> -> memref<1x512xi32, #tpu.memory_space<hbm>>
    %dma_wait3A_142 = tpu.memref_squeeze %dma_wait3A_141 : memref<1x512xi32, #tpu.memory_space<hbm>> -> memref<512xi32, #tpu.memory_space<hbm>>
    tpu.wait_dma2 semaphore(%arg59 : memref<!tpu.dma_semaphore, #tpu.memory_space<semaphore_mem>>) src(%dma_wait3A_142 : memref<512xi32, #tpu.memory_space<hbm>>) dst(%arg6 : memref<512xi32, #tpu.memory_space<vmem>>)
    %dma_start3A_143 = arith.constant 0 : i32
    %dma_start3A_144 = tpu.memref_slice %arg3[%dma_start3A_143] : memref<1000448xf32, #tpu.memory_space<hbm>> -> memref<1000448xf32, #tpu.memory_space<hbm>>
    tpu.enqueue_indirect_dma source(%dma_start3A_144 : memref<1000448xf32, #tpu.memory_space<hbm>>) target(%arg32 : memref<512xf32, #tpu.memory_space<vmem>>) offsets(%arg6 : memref<512xi32, #tpu.memory_space<vmem>>) semaphore(%arg58 : memref<!tpu.dma_semaphore, #tpu.memory_space<semaphore_mem>>)
    %dma_wait3A_145 = arith.constant 2 : i32
    %dma_wait3A_146 = tpu.memref_slice %arg2[%dma_wait3A_145, %multiple_of3A] : memref<26x16384xi32, #tpu.memory_space<hbm>> -> memref<1x512xi32, #tpu.memory_space<hbm>>
    %dma_wait3A_147 = tpu.memref_squeeze %dma_wait3A_146 : memref<1x512xi32, #tpu.memory_space<hbm>> -> memref<512xi32, #tpu.memory_space<hbm>>
    %dma_wait3A_148 = tpu.memref_slice %arg2[%dma_wait3A_145, %multiple_of3A] : memref<26x16384xi32, #tpu.memory_space<hbm>> -> memref<1x512xi32, #tpu.memory_space<hbm>>
    %dma_wait3A_149 = tpu.memref_squeeze %dma_wait3A_148 : memref<1x512xi32, #tpu.memory_space<hbm>> -> memref<512xi32, #tpu.memory_space<hbm>>
    tpu.wait_dma2 semaphore(%arg59 : memref<!tpu.dma_semaphore, #tpu.memory_space<semaphore_mem>>) src(%dma_wait3A_149 : memref<512xi32, #tpu.memory_space<hbm>>) dst(%arg7 : memref<512xi32, #tpu.memory_space<vmem>>)
    %dma_start3A_150 = arith.constant 0 : i32
    %dma_start3A_151 = tpu.memref_slice %arg3[%dma_start3A_150] : memref<1000448xf32, #tpu.memory_space<hbm>> -> memref<1000448xf32, #tpu.memory_space<hbm>>
    tpu.enqueue_indirect_dma source(%dma_start3A_151 : memref<1000448xf32, #tpu.memory_space<hbm>>) target(%arg33 : memref<512xf32, #tpu.memory_space<vmem>>) offsets(%arg7 : memref<512xi32, #tpu.memory_space<vmem>>) semaphore(%arg58 : memref<!tpu.dma_semaphore, #tpu.memory_space<semaphore_mem>>)
    %dma_wait3A_152 = arith.constant 3 : i32
    %dma_wait3A_153 = tpu.memref_slice %arg2[%dma_wait3A_152, %multiple_of3A] : memref<26x16384xi32, #tpu.memory_space<hbm>> -> memref<1x512xi32, #tpu.memory_space<hbm>>
    %dma_wait3A_154 = tpu.memref_squeeze %dma_wait3A_153 : memref<1x512xi32, #tpu.memory_space<hbm>> -> memref<512xi32, #tpu.memory_space<hbm>>
    %dma_wait3A_155 = tpu.memref_slice %arg2[%dma_wait3A_152, %multiple_of3A] : memref<26x16384xi32, #tpu.memory_space<hbm>> -> memref<1x512xi32, #tpu.memory_space<hbm>>
    %dma_wait3A_156 = tpu.memref_squeeze %dma_wait3A_155 : memref<1x512xi32, #tpu.memory_space<hbm>> -> memref<512xi32, #tpu.memory_space<hbm>>
    tpu.wait_dma2 semaphore(%arg59 : memref<!tpu.dma_semaphore, #tpu.memory_space<semaphore_mem>>) src(%dma_wait3A_156 : memref<512xi32, #tpu.memory_space<hbm>>) dst(%arg8 : memref<512xi32, #tpu.memory_space<vmem>>)
    %dma_start3A_157 = arith.constant 0 : i32
    %dma_start3A_158 = tpu.memref_slice %arg3[%dma_start3A_157] : memref<1000448xf32, #tpu.memory_space<hbm>> -> memref<1000448xf32, #tpu.memory_space<hbm>>
    tpu.enqueue_indirect_dma source(%dma_start3A_158 : memref<1000448xf32, #tpu.memory_space<hbm>>) target(%arg34 : memref<512xf32, #tpu.memory_space<vmem>>) offsets(%arg8 : memref<512xi32, #tpu.memory_space<vmem>>) semaphore(%arg58 : memref<!tpu.dma_semaphore, #tpu.memory_space<semaphore_mem>>)
    %dma_wait3A_159 = arith.constant 4 : i32
    %dma_wait3A_160 = tpu.memref_slice %arg2[%dma_wait3A_159, %multiple_of3A] : memref<26x16384xi32, #tpu.memory_space<hbm>> -> memref<1x512xi32, #tpu.memory_space<hbm>>
    %dma_wait3A_161 = tpu.memref_squeeze %dma_wait3A_160 : memref<1x512xi32, #tpu.memory_space<hbm>> -> memref<512xi32, #tpu.memory_space<hbm>>
    %dma_wait3A_162 = tpu.memref_slice %arg2[%dma_wait3A_159, %multiple_of3A] : memref<26x16384xi32, #tpu.memory_space<hbm>> -> memref<1x512xi32, #tpu.memory_space<hbm>>
    %dma_wait3A_163 = tpu.memref_squeeze %dma_wait3A_162 : memref<1x512xi32, #tpu.memory_space<hbm>> -> memref<512xi32, #tpu.memory_space<hbm>>
    tpu.wait_dma2 semaphore(%arg59 : memref<!tpu.dma_semaphore, #tpu.memory_space<semaphore_mem>>) src(%dma_wait3A_163 : memref<512xi32, #tpu.memory_space<hbm>>) dst(%arg9 : memref<512xi32, #tpu.memory_space<vmem>>)
    %dma_start3A_164 = arith.constant 0 : i32
    %dma_start3A_165 = tpu.memref_slice %arg3[%dma_start3A_164] : memref<1000448xf32, #tpu.memory_space<hbm>> -> memref<1000448xf32, #tpu.memory_space<hbm>>
    tpu.enqueue_indirect_dma source(%dma_start3A_165 : memref<1000448xf32, #tpu.memory_space<hbm>>) target(%arg35 : memref<512xf32, #tpu.memory_space<vmem>>) offsets(%arg9 : memref<512xi32, #tpu.memory_space<vmem>>) semaphore(%arg58 : memref<!tpu.dma_semaphore, #tpu.memory_space<semaphore_mem>>)
    %dma_wait3A_166 = arith.constant 5 : i32
    %dma_wait3A_167 = tpu.memref_slice %arg2[%dma_wait3A_166, %multiple_of3A] : memref<26x16384xi32, #tpu.memory_space<hbm>> -> memref<1x512xi32, #tpu.memory_space<hbm>>
    %dma_wait3A_168 = tpu.memref_squeeze %dma_wait3A_167 : memref<1x512xi32, #tpu.memory_space<hbm>> -> memref<512xi32, #tpu.memory_space<hbm>>
    %dma_wait3A_169 = tpu.memref_slice %arg2[%dma_wait3A_166, %multiple_of3A] : memref<26x16384xi32, #tpu.memory_space<hbm>> -> memref<1x512xi32, #tpu.memory_space<hbm>>
    %dma_wait3A_170 = tpu.memref_squeeze %dma_wait3A_169 : memref<1x512xi32, #tpu.memory_space<hbm>> -> memref<512xi32, #tpu.memory_space<hbm>>
    tpu.wait_dma2 semaphore(%arg59 : memref<!tpu.dma_semaphore, #tpu.memory_space<semaphore_mem>>) src(%dma_wait3A_170 : memref<512xi32, #tpu.memory_space<hbm>>) dst(%arg10 : memref<512xi32, #tpu.memory_space<vmem>>)
    %dma_start3A_171 = arith.constant 0 : i32
    %dma_start3A_172 = tpu.memref_slice %arg3[%dma_start3A_171] : memref<1000448xf32, #tpu.memory_space<hbm>> -> memref<1000448xf32, #tpu.memory_space<hbm>>
    tpu.enqueue_indirect_dma source(%dma_start3A_172 : memref<1000448xf32, #tpu.memory_space<hbm>>) target(%arg36 : memref<512xf32, #tpu.memory_space<vmem>>) offsets(%arg10 : memref<512xi32, #tpu.memory_space<vmem>>) semaphore(%arg58 : memref<!tpu.dma_semaphore, #tpu.memory_space<semaphore_mem>>)
    %dma_wait3A_173 = arith.constant 6 : i32
    %dma_wait3A_174 = tpu.memref_slice %arg2[%dma_wait3A_173, %multiple_of3A] : memref<26x16384xi32, #tpu.memory_space<hbm>> -> memref<1x512xi32, #tpu.memory_space<hbm>>
    %dma_wait3A_175 = tpu.memref_squeeze %dma_wait3A_174 : memref<1x512xi32, #tpu.memory_space<hbm>> -> memref<512xi32, #tpu.memory_space<hbm>>
    %dma_wait3A_176 = tpu.memref_slice %arg2[%dma_wait3A_173, %multiple_of3A] : memref<26x16384xi32, #tpu.memory_space<hbm>> -> memref<1x512xi32, #tpu.memory_space<hbm>>
    %dma_wait3A_177 = tpu.memref_squeeze %dma_wait3A_176 : memref<1x512xi32, #tpu.memory_space<hbm>> -> memref<512xi32, #tpu.memory_space<hbm>>
    tpu.wait_dma2 semaphore(%arg59 : memref<!tpu.dma_semaphore, #tpu.memory_space<semaphore_mem>>) src(%dma_wait3A_177 : memref<512xi32, #tpu.memory_space<hbm>>) dst(%arg11 : memref<512xi32, #tpu.memory_space<vmem>>)
    %dma_start3A_178 = arith.constant 0 : i32
    %dma_start3A_179 = tpu.memref_slice %arg3[%dma_start3A_178] : memref<1000448xf32, #tpu.memory_space<hbm>> -> memref<1000448xf32, #tpu.memory_space<hbm>>
    tpu.enqueue_indirect_dma source(%dma_start3A_179 : memref<1000448xf32, #tpu.memory_space<hbm>>) target(%arg37 : memref<512xf32, #tpu.memory_space<vmem>>) offsets(%arg11 : memref<512xi32, #tpu.memory_space<vmem>>) semaphore(%arg58 : memref<!tpu.dma_semaphore, #tpu.memory_space<semaphore_mem>>)
    %dma_wait3A_180 = arith.constant 7 : i32
    %dma_wait3A_181 = tpu.memref_slice %arg2[%dma_wait3A_180, %multiple_of3A] : memref<26x16384xi32, #tpu.memory_space<hbm>> -> memref<1x512xi32, #tpu.memory_space<hbm>>
    %dma_wait3A_182 = tpu.memref_squeeze %dma_wait3A_181 : memref<1x512xi32, #tpu.memory_space<hbm>> -> memref<512xi32, #tpu.memory_space<hbm>>
    %dma_wait3A_183 = tpu.memref_slice %arg2[%dma_wait3A_180, %multiple_of3A] : memref<26x16384xi32, #tpu.memory_space<hbm>> -> memref<1x512xi32, #tpu.memory_space<hbm>>
    %dma_wait3A_184 = tpu.memref_squeeze %dma_wait3A_183 : memref<1x512xi32, #tpu.memory_space<hbm>> -> memref<512xi32, #tpu.memory_space<hbm>>
    tpu.wait_dma2 semaphore(%arg59 : memref<!tpu.dma_semaphore, #tpu.memory_space<semaphore_mem>>) src(%dma_wait3A_184 : memref<512xi32, #tpu.memory_space<hbm>>) dst(%arg12 : memref<512xi32, #tpu.memory_space<vmem>>)
    %dma_start3A_185 = arith.constant 0 : i32
    %dma_start3A_186 = tpu.memref_slice %arg3[%dma_start3A_185] : memref<1000448xf32, #tpu.memory_space<hbm>> -> memref<1000448xf32, #tpu.memory_space<hbm>>
    tpu.enqueue_indirect_dma source(%dma_start3A_186 : memref<1000448xf32, #tpu.memory_space<hbm>>) target(%arg38 : memref<512xf32, #tpu.memory_space<vmem>>) offsets(%arg12 : memref<512xi32, #tpu.memory_space<vmem>>) semaphore(%arg58 : memref<!tpu.dma_semaphore, #tpu.memory_space<semaphore_mem>>)
    %dma_wait3A_187 = arith.constant 8 : i32
    %dma_wait3A_188 = tpu.memref_slice %arg2[%dma_wait3A_187, %multiple_of3A] : memref<26x16384xi32, #tpu.memory_space<hbm>> -> memref<1x512xi32, #tpu.memory_space<hbm>>
    %dma_wait3A_189 = tpu.memref_squeeze %dma_wait3A_188 : memref<1x512xi32, #tpu.memory_space<hbm>> -> memref<512xi32, #tpu.memory_space<hbm>>
    %dma_wait3A_190 = tpu.memref_slice %arg2[%dma_wait3A_187, %multiple_of3A] : memref<26x16384xi32, #tpu.memory_space<hbm>> -> memref<1x512xi32, #tpu.memory_space<hbm>>
    %dma_wait3A_191 = tpu.memref_squeeze %dma_wait3A_190 : memref<1x512xi32, #tpu.memory_space<hbm>> -> memref<512xi32, #tpu.memory_space<hbm>>
    tpu.wait_dma2 semaphore(%arg59 : memref<!tpu.dma_semaphore, #tpu.memory_space<semaphore_mem>>) src(%dma_wait3A_191 : memref<512xi32, #tpu.memory_space<hbm>>) dst(%arg13 : memref<512xi32, #tpu.memory_space<vmem>>)
    %dma_start3A_192 = arith.constant 0 : i32
    %dma_start3A_193 = tpu.memref_slice %arg3[%dma_start3A_192] : memref<1000448xf32, #tpu.memory_space<hbm>> -> memref<1000448xf32, #tpu.memory_space<hbm>>
    tpu.enqueue_indirect_dma source(%dma_start3A_193 : memref<1000448xf32, #tpu.memory_space<hbm>>) target(%arg39 : memref<512xf32, #tpu.memory_space<vmem>>) offsets(%arg13 : memref<512xi32, #tpu.memory_space<vmem>>) semaphore(%arg58 : memref<!tpu.dma_semaphore, #tpu.memory_space<semaphore_mem>>)
    %dma_wait3A_194 = arith.constant 9 : i32
    %dma_wait3A_195 = tpu.memref_slice %arg2[%dma_wait3A_194, %multiple_of3A] : memref<26x16384xi32, #tpu.memory_space<hbm>> -> memref<1x512xi32, #tpu.memory_space<hbm>>
    %dma_wait3A_196 = tpu.memref_squeeze %dma_wait3A_195 : memref<1x512xi32, #tpu.memory_space<hbm>> -> memref<512xi32, #tpu.memory_space<hbm>>
    %dma_wait3A_197 = tpu.memref_slice %arg2[%dma_wait3A_194, %multiple_of3A] : memref<26x16384xi32, #tpu.memory_space<hbm>> -> memref<1x512xi32, #tpu.memory_space<hbm>>
    %dma_wait3A_198 = tpu.memref_squeeze %dma_wait3A_197 : memref<1x512xi32, #tpu.memory_space<hbm>> -> memref<512xi32, #tpu.memory_space<hbm>>
    tpu.wait_dma2 semaphore(%arg59 : memref<!tpu.dma_semaphore, #tpu.memory_space<semaphore_mem>>) src(%dma_wait3A_198 : memref<512xi32, #tpu.memory_space<hbm>>) dst(%arg14 : memref<512xi32, #tpu.memory_space<vmem>>)
    %dma_start3A_199 = arith.constant 0 : i32
    %dma_start3A_200 = tpu.memref_slice %arg3[%dma_start3A_199] : memref<1000448xf32, #tpu.memory_space<hbm>> -> memref<1000448xf32, #tpu.memory_space<hbm>>
    tpu.enqueue_indirect_dma source(%dma_start3A_200 : memref<1000448xf32, #tpu.memory_space<hbm>>) target(%arg40 : memref<512xf32, #tpu.memory_space<vmem>>) offsets(%arg14 : memref<512xi32, #tpu.memory_space<vmem>>) semaphore(%arg58 : memref<!tpu.dma_semaphore, #tpu.memory_space<semaphore_mem>>)
    %dma_wait3A_201 = arith.constant 10 : i32
    %dma_wait3A_202 = tpu.memref_slice %arg2[%dma_wait3A_201, %multiple_of3A] : memref<26x16384xi32, #tpu.memory_space<hbm>> -> memref<1x512xi32, #tpu.memory_space<hbm>>
    %dma_wait3A_203 = tpu.memref_squeeze %dma_wait3A_202 : memref<1x512xi32, #tpu.memory_space<hbm>> -> memref<512xi32, #tpu.memory_space<hbm>>
    %dma_wait3A_204 = tpu.memref_slice %arg2[%dma_wait3A_201, %multiple_of3A] : memref<26x16384xi32, #tpu.memory_space<hbm>> -> memref<1x512xi32, #tpu.memory_space<hbm>>
    %dma_wait3A_205 = tpu.memref_squeeze %dma_wait3A_204 : memref<1x512xi32, #tpu.memory_space<hbm>> -> memref<512xi32, #tpu.memory_space<hbm>>
    tpu.wait_dma2 semaphore(%arg59 : memref<!tpu.dma_semaphore, #tpu.memory_space<semaphore_mem>>) src(%dma_wait3A_205 : memref<512xi32, #tpu.memory_space<hbm>>) dst(%arg15 : memref<512xi32, #tpu.memory_space<vmem>>)
    %dma_start3A_206 = arith.constant 0 : i32
    %dma_start3A_207 = tpu.memref_slice %arg3[%dma_start3A_206] : memref<1000448xf32, #tpu.memory_space<hbm>> -> memref<1000448xf32, #tpu.memory_space<hbm>>
    tpu.enqueue_indirect_dma source(%dma_start3A_207 : memref<1000448xf32, #tpu.memory_space<hbm>>) target(%arg41 : memref<512xf32, #tpu.memory_space<vmem>>) offsets(%arg15 : memref<512xi32, #tpu.memory_space<vmem>>) semaphore(%arg58 : memref<!tpu.dma_semaphore, #tpu.memory_space<semaphore_mem>>)
    %dma_wait3A_208 = arith.constant 11 : i32
    %dma_wait3A_209 = tpu.memref_slice %arg2[%dma_wait3A_208, %multiple_of3A] : memref<26x16384xi32, #tpu.memory_space<hbm>> -> memref<1x512xi32, #tpu.memory_space<hbm>>
    %dma_wait3A_210 = tpu.memref_squeeze %dma_wait3A_209 : memref<1x512xi32, #tpu.memory_space<hbm>> -> memref<512xi32, #tpu.memory_space<hbm>>
    %dma_wait3A_211 = tpu.memref_slice %arg2[%dma_wait3A_208, %multiple_of3A] : memref<26x16384xi32, #tpu.memory_space<hbm>> -> memref<1x512xi32, #tpu.memory_space<hbm>>
    %dma_wait3A_212 = tpu.memref_squeeze %dma_wait3A_211 : memref<1x512xi32, #tpu.memory_space<hbm>> -> memref<512xi32, #tpu.memory_space<hbm>>
    tpu.wait_dma2 semaphore(%arg59 : memref<!tpu.dma_semaphore, #tpu.memory_space<semaphore_mem>>) src(%dma_wait3A_212 : memref<512xi32, #tpu.memory_space<hbm>>) dst(%arg16 : memref<512xi32, #tpu.memory_space<vmem>>)
    %dma_start3A_213 = arith.constant 0 : i32
    %dma_start3A_214 = tpu.memref_slice %arg3[%dma_start3A_213] : memref<1000448xf32, #tpu.memory_space<hbm>> -> memref<1000448xf32, #tpu.memory_space<hbm>>
    tpu.enqueue_indirect_dma source(%dma_start3A_214 : memref<1000448xf32, #tpu.memory_space<hbm>>) target(%arg42 : memref<512xf32, #tpu.memory_space<vmem>>) offsets(%arg16 : memref<512xi32, #tpu.memory_space<vmem>>) semaphore(%arg58 : memref<!tpu.dma_semaphore, #tpu.memory_space<semaphore_mem>>)
    %dma_wait3A_215 = arith.constant 12 : i32
    %dma_wait3A_216 = tpu.memref_slice %arg2[%dma_wait3A_215, %multiple_of3A] : memref<26x16384xi32, #tpu.memory_space<hbm>> -> memref<1x512xi32, #tpu.memory_space<hbm>>
    %dma_wait3A_217 = tpu.memref_squeeze %dma_wait3A_216 : memref<1x512xi32, #tpu.memory_space<hbm>> -> memref<512xi32, #tpu.memory_space<hbm>>
    %dma_wait3A_218 = tpu.memref_slice %arg2[%dma_wait3A_215, %multiple_of3A] : memref<26x16384xi32, #tpu.memory_space<hbm>> -> memref<1x512xi32, #tpu.memory_space<hbm>>
    %dma_wait3A_219 = tpu.memref_squeeze %dma_wait3A_218 : memref<1x512xi32, #tpu.memory_space<hbm>> -> memref<512xi32, #tpu.memory_space<hbm>>
    tpu.wait_dma2 semaphore(%arg59 : memref<!tpu.dma_semaphore, #tpu.memory_space<semaphore_mem>>) src(%dma_wait3A_219 : memref<512xi32, #tpu.memory_space<hbm>>) dst(%arg17 : memref<512xi32, #tpu.memory_space<vmem>>)
    %dma_start3A_220 = arith.constant 0 : i32
    %dma_start3A_221 = tpu.memref_slice %arg3[%dma_start3A_220] : memref<1000448xf32, #tpu.memory_space<hbm>> -> memref<1000448xf32, #tpu.memory_space<hbm>>
    tpu.enqueue_indirect_dma source(%dma_start3A_221 : memref<1000448xf32, #tpu.memory_space<hbm>>) target(%arg43 : memref<512xf32, #tpu.memory_space<vmem>>) offsets(%arg17 : memref<512xi32, #tpu.memory_space<vmem>>) semaphore(%arg58 : memref<!tpu.dma_semaphore, #tpu.memory_space<semaphore_mem>>)
    %dma_wait3A_222 = arith.constant 13 : i32
    %dma_wait3A_223 = tpu.memref_slice %arg2[%dma_wait3A_222, %multiple_of3A] : memref<26x16384xi32, #tpu.memory_space<hbm>> -> memref<1x512xi32, #tpu.memory_space<hbm>>
    %dma_wait3A_224 = tpu.memref_squeeze %dma_wait3A_223 : memref<1x512xi32, #tpu.memory_space<hbm>> -> memref<512xi32, #tpu.memory_space<hbm>>
    %dma_wait3A_225 = tpu.memref_slice %arg2[%dma_wait3A_222, %multiple_of3A] : memref<26x16384xi32, #tpu.memory_space<hbm>> -> memref<1x512xi32, #tpu.memory_space<hbm>>
    %dma_wait3A_226 = tpu.memref_squeeze %dma_wait3A_225 : memref<1x512xi32, #tpu.memory_space<hbm>> -> memref<512xi32, #tpu.memory_space<hbm>>
    tpu.wait_dma2 semaphore(%arg59 : memref<!tpu.dma_semaphore, #tpu.memory_space<semaphore_mem>>) src(%dma_wait3A_226 : memref<512xi32, #tpu.memory_space<hbm>>) dst(%arg18 : memref<512xi32, #tpu.memory_space<vmem>>)
    %dma_start3A_227 = arith.constant 0 : i32
    %dma_start3A_228 = tpu.memref_slice %arg3[%dma_start3A_227] : memref<1000448xf32, #tpu.memory_space<hbm>> -> memref<1000448xf32, #tpu.memory_space<hbm>>
    tpu.enqueue_indirect_dma source(%dma_start3A_228 : memref<1000448xf32, #tpu.memory_space<hbm>>) target(%arg44 : memref<512xf32, #tpu.memory_space<vmem>>) offsets(%arg18 : memref<512xi32, #tpu.memory_space<vmem>>) semaphore(%arg58 : memref<!tpu.dma_semaphore, #tpu.memory_space<semaphore_mem>>)
    %dma_wait3A_229 = arith.constant 14 : i32
    %dma_wait3A_230 = tpu.memref_slice %arg2[%dma_wait3A_229, %multiple_of3A] : memref<26x16384xi32, #tpu.memory_space<hbm>> -> memref<1x512xi32, #tpu.memory_space<hbm>>
    %dma_wait3A_231 = tpu.memref_squeeze %dma_wait3A_230 : memref<1x512xi32, #tpu.memory_space<hbm>> -> memref<512xi32, #tpu.memory_space<hbm>>
    %dma_wait3A_232 = tpu.memref_slice %arg2[%dma_wait3A_229, %multiple_of3A] : memref<26x16384xi32, #tpu.memory_space<hbm>> -> memref<1x512xi32, #tpu.memory_space<hbm>>
    %dma_wait3A_233 = tpu.memref_squeeze %dma_wait3A_232 : memref<1x512xi32, #tpu.memory_space<hbm>> -> memref<512xi32, #tpu.memory_space<hbm>>
    tpu.wait_dma2 semaphore(%arg59 : memref<!tpu.dma_semaphore, #tpu.memory_space<semaphore_mem>>) src(%dma_wait3A_233 : memref<512xi32, #tpu.memory_space<hbm>>) dst(%arg19 : memref<512xi32, #tpu.memory_space<vmem>>)
    %dma_start3A_234 = arith.constant 0 : i32
    %dma_start3A_235 = tpu.memref_slice %arg3[%dma_start3A_234] : memref<1000448xf32, #tpu.memory_space<hbm>> -> memref<1000448xf32, #tpu.memory_space<hbm>>
    tpu.enqueue_indirect_dma source(%dma_start3A_235 : memref<1000448xf32, #tpu.memory_space<hbm>>) target(%arg45 : memref<512xf32, #tpu.memory_space<vmem>>) offsets(%arg19 : memref<512xi32, #tpu.memory_space<vmem>>) semaphore(%arg58 : memref<!tpu.dma_semaphore, #tpu.memory_space<semaphore_mem>>)
    %dma_wait3A_236 = arith.constant 15 : i32
    %dma_wait3A_237 = tpu.memref_slice %arg2[%dma_wait3A_236, %multiple_of3A] : memref<26x16384xi32, #tpu.memory_space<hbm>> -> memref<1x512xi32, #tpu.memory_space<hbm>>
    %dma_wait3A_238 = tpu.memref_squeeze %dma_wait3A_237 : memref<1x512xi32, #tpu.memory_space<hbm>> -> memref<512xi32, #tpu.memory_space<hbm>>
    %dma_wait3A_239 = tpu.memref_slice %arg2[%dma_wait3A_236, %multiple_of3A] : memref<26x16384xi32, #tpu.memory_space<hbm>> -> memref<1x512xi32, #tpu.memory_space<hbm>>
    %dma_wait3A_240 = tpu.memref_squeeze %dma_wait3A_239 : memref<1x512xi32, #tpu.memory_space<hbm>> -> memref<512xi32, #tpu.memory_space<hbm>>
    tpu.wait_dma2 semaphore(%arg59 : memref<!tpu.dma_semaphore, #tpu.memory_space<semaphore_mem>>) src(%dma_wait3A_240 : memref<512xi32, #tpu.memory_space<hbm>>) dst(%arg20 : memref<512xi32, #tpu.memory_space<vmem>>)
    %dma_start3A_241 = arith.constant 0 : i32
    %dma_start3A_242 = tpu.memref_slice %arg3[%dma_start3A_241] : memref<1000448xf32, #tpu.memory_space<hbm>> -> memref<1000448xf32, #tpu.memory_space<hbm>>
    tpu.enqueue_indirect_dma source(%dma_start3A_242 : memref<1000448xf32, #tpu.memory_space<hbm>>) target(%arg46 : memref<512xf32, #tpu.memory_space<vmem>>) offsets(%arg20 : memref<512xi32, #tpu.memory_space<vmem>>) semaphore(%arg58 : memref<!tpu.dma_semaphore, #tpu.memory_space<semaphore_mem>>)
    %dma_wait3A_243 = arith.constant 16 : i32
    %dma_wait3A_244 = tpu.memref_slice %arg2[%dma_wait3A_243, %multiple_of3A] : memref<26x16384xi32, #tpu.memory_space<hbm>> -> memref<1x512xi32, #tpu.memory_space<hbm>>
    %dma_wait3A_245 = tpu.memref_squeeze %dma_wait3A_244 : memref<1x512xi32, #tpu.memory_space<hbm>> -> memref<512xi32, #tpu.memory_space<hbm>>
    %dma_wait3A_246 = tpu.memref_slice %arg2[%dma_wait3A_243, %multiple_of3A] : memref<26x16384xi32, #tpu.memory_space<hbm>> -> memref<1x512xi32, #tpu.memory_space<hbm>>
    %dma_wait3A_247 = tpu.memref_squeeze %dma_wait3A_246 : memref<1x512xi32, #tpu.memory_space<hbm>> -> memref<512xi32, #tpu.memory_space<hbm>>
    tpu.wait_dma2 semaphore(%arg59 : memref<!tpu.dma_semaphore, #tpu.memory_space<semaphore_mem>>) src(%dma_wait3A_247 : memref<512xi32, #tpu.memory_space<hbm>>) dst(%arg21 : memref<512xi32, #tpu.memory_space<vmem>>)
    %dma_start3A_248 = arith.constant 0 : i32
    %dma_start3A_249 = tpu.memref_slice %arg3[%dma_start3A_248] : memref<1000448xf32, #tpu.memory_space<hbm>> -> memref<1000448xf32, #tpu.memory_space<hbm>>
    tpu.enqueue_indirect_dma source(%dma_start3A_249 : memref<1000448xf32, #tpu.memory_space<hbm>>) target(%arg47 : memref<512xf32, #tpu.memory_space<vmem>>) offsets(%arg21 : memref<512xi32, #tpu.memory_space<vmem>>) semaphore(%arg58 : memref<!tpu.dma_semaphore, #tpu.memory_space<semaphore_mem>>)
    %dma_wait3A_250 = arith.constant 17 : i32
    %dma_wait3A_251 = tpu.memref_slice %arg2[%dma_wait3A_250, %multiple_of3A] : memref<26x16384xi32, #tpu.memory_space<hbm>> -> memref<1x512xi32, #tpu.memory_space<hbm>>
    %dma_wait3A_252 = tpu.memref_squeeze %dma_wait3A_251 : memref<1x512xi32, #tpu.memory_space<hbm>> -> memref<512xi32, #tpu.memory_space<hbm>>
    %dma_wait3A_253 = tpu.memref_slice %arg2[%dma_wait3A_250, %multiple_of3A] : memref<26x16384xi32, #tpu.memory_space<hbm>> -> memref<1x512xi32, #tpu.memory_space<hbm>>
    %dma_wait3A_254 = tpu.memref_squeeze %dma_wait3A_253 : memref<1x512xi32, #tpu.memory_space<hbm>> -> memref<512xi32, #tpu.memory_space<hbm>>
    tpu.wait_dma2 semaphore(%arg59 : memref<!tpu.dma_semaphore, #tpu.memory_space<semaphore_mem>>) src(%dma_wait3A_254 : memref<512xi32, #tpu.memory_space<hbm>>) dst(%arg22 : memref<512xi32, #tpu.memory_space<vmem>>)
    %dma_start3A_255 = arith.constant 0 : i32
    %dma_start3A_256 = tpu.memref_slice %arg3[%dma_start3A_255] : memref<1000448xf32, #tpu.memory_space<hbm>> -> memref<1000448xf32, #tpu.memory_space<hbm>>
    tpu.enqueue_indirect_dma source(%dma_start3A_256 : memref<1000448xf32, #tpu.memory_space<hbm>>) target(%arg48 : memref<512xf32, #tpu.memory_space<vmem>>) offsets(%arg22 : memref<512xi32, #tpu.memory_space<vmem>>) semaphore(%arg58 : memref<!tpu.dma_semaphore, #tpu.memory_space<semaphore_mem>>)
    %dma_wait3A_257 = arith.constant 18 : i32
    %dma_wait3A_258 = tpu.memref_slice %arg2[%dma_wait3A_257, %multiple_of3A] : memref<26x16384xi32, #tpu.memory_space<hbm>> -> memref<1x512xi32, #tpu.memory_space<hbm>>
    %dma_wait3A_259 = tpu.memref_squeeze %dma_wait3A_258 : memref<1x512xi32, #tpu.memory_space<hbm>> -> memref<512xi32, #tpu.memory_space<hbm>>
    %dma_wait3A_260 = tpu.memref_slice %arg2[%dma_wait3A_257, %multiple_of3A] : memref<26x16384xi32, #tpu.memory_space<hbm>> -> memref<1x512xi32, #tpu.memory_space<hbm>>
    %dma_wait3A_261 = tpu.memref_squeeze %dma_wait3A_260 : memref<1x512xi32, #tpu.memory_space<hbm>> -> memref<512xi32, #tpu.memory_space<hbm>>
    tpu.wait_dma2 semaphore(%arg59 : memref<!tpu.dma_semaphore, #tpu.memory_space<semaphore_mem>>) src(%dma_wait3A_261 : memref<512xi32, #tpu.memory_space<hbm>>) dst(%arg23 : memref<512xi32, #tpu.memory_space<vmem>>)
    %dma_start3A_262 = arith.constant 0 : i32
    %dma_start3A_263 = tpu.memref_slice %arg3[%dma_start3A_262] : memref<1000448xf32, #tpu.memory_space<hbm>> -> memref<1000448xf32, #tpu.memory_space<hbm>>
    tpu.enqueue_indirect_dma source(%dma_start3A_263 : memref<1000448xf32, #tpu.memory_space<hbm>>) target(%arg49 : memref<512xf32, #tpu.memory_space<vmem>>) offsets(%arg23 : memref<512xi32, #tpu.memory_space<vmem>>) semaphore(%arg58 : memref<!tpu.dma_semaphore, #tpu.memory_space<semaphore_mem>>)
    %dma_wait3A_264 = arith.constant 19 : i32
    %dma_wait3A_265 = tpu.memref_slice %arg2[%dma_wait3A_264, %multiple_of3A] : memref<26x16384xi32, #tpu.memory_space<hbm>> -> memref<1x512xi32, #tpu.memory_space<hbm>>
    %dma_wait3A_266 = tpu.memref_squeeze %dma_wait3A_265 : memref<1x512xi32, #tpu.memory_space<hbm>> -> memref<512xi32, #tpu.memory_space<hbm>>
    %dma_wait3A_267 = tpu.memref_slice %arg2[%dma_wait3A_264, %multiple_of3A] : memref<26x16384xi32, #tpu.memory_space<hbm>> -> memref<1x512xi32, #tpu.memory_space<hbm>>
    %dma_wait3A_268 = tpu.memref_squeeze %dma_wait3A_267 : memref<1x512xi32, #tpu.memory_space<hbm>> -> memref<512xi32, #tpu.memory_space<hbm>>
    tpu.wait_dma2 semaphore(%arg59 : memref<!tpu.dma_semaphore, #tpu.memory_space<semaphore_mem>>) src(%dma_wait3A_268 : memref<512xi32, #tpu.memory_space<hbm>>) dst(%arg24 : memref<512xi32, #tpu.memory_space<vmem>>)
    %dma_start3A_269 = arith.constant 0 : i32
    %dma_start3A_270 = tpu.memref_slice %arg3[%dma_start3A_269] : memref<1000448xf32, #tpu.memory_space<hbm>> -> memref<1000448xf32, #tpu.memory_space<hbm>>
    tpu.enqueue_indirect_dma source(%dma_start3A_270 : memref<1000448xf32, #tpu.memory_space<hbm>>) target(%arg50 : memref<512xf32, #tpu.memory_space<vmem>>) offsets(%arg24 : memref<512xi32, #tpu.memory_space<vmem>>) semaphore(%arg58 : memref<!tpu.dma_semaphore, #tpu.memory_space<semaphore_mem>>)
    %dma_wait3A_271 = arith.constant 20 : i32
    %dma_wait3A_272 = tpu.memref_slice %arg2[%dma_wait3A_271, %multiple_of3A] : memref<26x16384xi32, #tpu.memory_space<hbm>> -> memref<1x512xi32, #tpu.memory_space<hbm>>
    %dma_wait3A_273 = tpu.memref_squeeze %dma_wait3A_272 : memref<1x512xi32, #tpu.memory_space<hbm>> -> memref<512xi32, #tpu.memory_space<hbm>>
    %dma_wait3A_274 = tpu.memref_slice %arg2[%dma_wait3A_271, %multiple_of3A] : memref<26x16384xi32, #tpu.memory_space<hbm>> -> memref<1x512xi32, #tpu.memory_space<hbm>>
    %dma_wait3A_275 = tpu.memref_squeeze %dma_wait3A_274 : memref<1x512xi32, #tpu.memory_space<hbm>> -> memref<512xi32, #tpu.memory_space<hbm>>
    tpu.wait_dma2 semaphore(%arg59 : memref<!tpu.dma_semaphore, #tpu.memory_space<semaphore_mem>>) src(%dma_wait3A_275 : memref<512xi32, #tpu.memory_space<hbm>>) dst(%arg25 : memref<512xi32, #tpu.memory_space<vmem>>)
    %dma_start3A_276 = arith.constant 0 : i32
    %dma_start3A_277 = tpu.memref_slice %arg3[%dma_start3A_276] : memref<1000448xf32, #tpu.memory_space<hbm>> -> memref<1000448xf32, #tpu.memory_space<hbm>>
    tpu.enqueue_indirect_dma source(%dma_start3A_277 : memref<1000448xf32, #tpu.memory_space<hbm>>) target(%arg51 : memref<512xf32, #tpu.memory_space<vmem>>) offsets(%arg25 : memref<512xi32, #tpu.memory_space<vmem>>) semaphore(%arg58 : memref<!tpu.dma_semaphore, #tpu.memory_space<semaphore_mem>>)
    %dma_wait3A_278 = arith.constant 21 : i32
    %dma_wait3A_279 = tpu.memref_slice %arg2[%dma_wait3A_278, %multiple_of3A] : memref<26x16384xi32, #tpu.memory_space<hbm>> -> memref<1x512xi32, #tpu.memory_space<hbm>>
    %dma_wait3A_280 = tpu.memref_squeeze %dma_wait3A_279 : memref<1x512xi32, #tpu.memory_space<hbm>> -> memref<512xi32, #tpu.memory_space<hbm>>
    %dma_wait3A_281 = tpu.memref_slice %arg2[%dma_wait3A_278, %multiple_of3A] : memref<26x16384xi32, #tpu.memory_space<hbm>> -> memref<1x512xi32, #tpu.memory_space<hbm>>
    %dma_wait3A_282 = tpu.memref_squeeze %dma_wait3A_281 : memref<1x512xi32, #tpu.memory_space<hbm>> -> memref<512xi32, #tpu.memory_space<hbm>>
    tpu.wait_dma2 semaphore(%arg59 : memref<!tpu.dma_semaphore, #tpu.memory_space<semaphore_mem>>) src(%dma_wait3A_282 : memref<512xi32, #tpu.memory_space<hbm>>) dst(%arg26 : memref<512xi32, #tpu.memory_space<vmem>>)
    %dma_start3A_283 = arith.constant 0 : i32
    %dma_start3A_284 = tpu.memref_slice %arg3[%dma_start3A_283] : memref<1000448xf32, #tpu.memory_space<hbm>> -> memref<1000448xf32, #tpu.memory_space<hbm>>
    tpu.enqueue_indirect_dma source(%dma_start3A_284 : memref<1000448xf32, #tpu.memory_space<hbm>>) target(%arg52 : memref<512xf32, #tpu.memory_space<vmem>>) offsets(%arg26 : memref<512xi32, #tpu.memory_space<vmem>>) semaphore(%arg58 : memref<!tpu.dma_semaphore, #tpu.memory_space<semaphore_mem>>)
    %dma_wait3A_285 = arith.constant 22 : i32
    %dma_wait3A_286 = tpu.memref_slice %arg2[%dma_wait3A_285, %multiple_of3A] : memref<26x16384xi32, #tpu.memory_space<hbm>> -> memref<1x512xi32, #tpu.memory_space<hbm>>
    %dma_wait3A_287 = tpu.memref_squeeze %dma_wait3A_286 : memref<1x512xi32, #tpu.memory_space<hbm>> -> memref<512xi32, #tpu.memory_space<hbm>>
    %dma_wait3A_288 = tpu.memref_slice %arg2[%dma_wait3A_285, %multiple_of3A] : memref<26x16384xi32, #tpu.memory_space<hbm>> -> memref<1x512xi32, #tpu.memory_space<hbm>>
    %dma_wait3A_289 = tpu.memref_squeeze %dma_wait3A_288 : memref<1x512xi32, #tpu.memory_space<hbm>> -> memref<512xi32, #tpu.memory_space<hbm>>
    tpu.wait_dma2 semaphore(%arg59 : memref<!tpu.dma_semaphore, #tpu.memory_space<semaphore_mem>>) src(%dma_wait3A_289 : memref<512xi32, #tpu.memory_space<hbm>>) dst(%arg27 : memref<512xi32, #tpu.memory_space<vmem>>)
    %dma_start3A_290 = arith.constant 0 : i32
    %dma_start3A_291 = tpu.memref_slice %arg3[%dma_start3A_290] : memref<1000448xf32, #tpu.memory_space<hbm>> -> memref<1000448xf32, #tpu.memory_space<hbm>>
    tpu.enqueue_indirect_dma source(%dma_start3A_291 : memref<1000448xf32, #tpu.memory_space<hbm>>) target(%arg53 : memref<512xf32, #tpu.memory_space<vmem>>) offsets(%arg27 : memref<512xi32, #tpu.memory_space<vmem>>) semaphore(%arg58 : memref<!tpu.dma_semaphore, #tpu.memory_space<semaphore_mem>>)
    %dma_wait3A_292 = arith.constant 23 : i32
    %dma_wait3A_293 = tpu.memref_slice %arg2[%dma_wait3A_292, %multiple_of3A] : memref<26x16384xi32, #tpu.memory_space<hbm>> -> memref<1x512xi32, #tpu.memory_space<hbm>>
    %dma_wait3A_294 = tpu.memref_squeeze %dma_wait3A_293 : memref<1x512xi32, #tpu.memory_space<hbm>> -> memref<512xi32, #tpu.memory_space<hbm>>
    %dma_wait3A_295 = tpu.memref_slice %arg2[%dma_wait3A_292, %multiple_of3A] : memref<26x16384xi32, #tpu.memory_space<hbm>> -> memref<1x512xi32, #tpu.memory_space<hbm>>
    %dma_wait3A_296 = tpu.memref_squeeze %dma_wait3A_295 : memref<1x512xi32, #tpu.memory_space<hbm>> -> memref<512xi32, #tpu.memory_space<hbm>>
    tpu.wait_dma2 semaphore(%arg59 : memref<!tpu.dma_semaphore, #tpu.memory_space<semaphore_mem>>) src(%dma_wait3A_296 : memref<512xi32, #tpu.memory_space<hbm>>) dst(%arg28 : memref<512xi32, #tpu.memory_space<vmem>>)
    %dma_start3A_297 = arith.constant 0 : i32
    %dma_start3A_298 = tpu.memref_slice %arg3[%dma_start3A_297] : memref<1000448xf32, #tpu.memory_space<hbm>> -> memref<1000448xf32, #tpu.memory_space<hbm>>
    tpu.enqueue_indirect_dma source(%dma_start3A_298 : memref<1000448xf32, #tpu.memory_space<hbm>>) target(%arg54 : memref<512xf32, #tpu.memory_space<vmem>>) offsets(%arg28 : memref<512xi32, #tpu.memory_space<vmem>>) semaphore(%arg58 : memref<!tpu.dma_semaphore, #tpu.memory_space<semaphore_mem>>)
    %dma_wait3A_299 = arith.constant 24 : i32
    %dma_wait3A_300 = tpu.memref_slice %arg2[%dma_wait3A_299, %multiple_of3A] : memref<26x16384xi32, #tpu.memory_space<hbm>> -> memref<1x512xi32, #tpu.memory_space<hbm>>
    %dma_wait3A_301 = tpu.memref_squeeze %dma_wait3A_300 : memref<1x512xi32, #tpu.memory_space<hbm>> -> memref<512xi32, #tpu.memory_space<hbm>>
    %dma_wait3A_302 = tpu.memref_slice %arg2[%dma_wait3A_299, %multiple_of3A] : memref<26x16384xi32, #tpu.memory_space<hbm>> -> memref<1x512xi32, #tpu.memory_space<hbm>>
    %dma_wait3A_303 = tpu.memref_squeeze %dma_wait3A_302 : memref<1x512xi32, #tpu.memory_space<hbm>> -> memref<512xi32, #tpu.memory_space<hbm>>
    tpu.wait_dma2 semaphore(%arg59 : memref<!tpu.dma_semaphore, #tpu.memory_space<semaphore_mem>>) src(%dma_wait3A_303 : memref<512xi32, #tpu.memory_space<hbm>>) dst(%arg29 : memref<512xi32, #tpu.memory_space<vmem>>)
    %dma_start3A_304 = arith.constant 0 : i32
    %dma_start3A_305 = tpu.memref_slice %arg3[%dma_start3A_304] : memref<1000448xf32, #tpu.memory_space<hbm>> -> memref<1000448xf32, #tpu.memory_space<hbm>>
    tpu.enqueue_indirect_dma source(%dma_start3A_305 : memref<1000448xf32, #tpu.memory_space<hbm>>) target(%arg55 : memref<512xf32, #tpu.memory_space<vmem>>) offsets(%arg29 : memref<512xi32, #tpu.memory_space<vmem>>) semaphore(%arg58 : memref<!tpu.dma_semaphore, #tpu.memory_space<semaphore_mem>>)
    %dma_wait3A_306 = arith.constant 25 : i32
    %dma_wait3A_307 = tpu.memref_slice %arg2[%dma_wait3A_306, %multiple_of3A] : memref<26x16384xi32, #tpu.memory_space<hbm>> -> memref<1x512xi32, #tpu.memory_space<hbm>>
    %dma_wait3A_308 = tpu.memref_squeeze %dma_wait3A_307 : memref<1x512xi32, #tpu.memory_space<hbm>> -> memref<512xi32, #tpu.memory_space<hbm>>
    %dma_wait3A_309 = tpu.memref_slice %arg2[%dma_wait3A_306, %multiple_of3A] : memref<26x16384xi32, #tpu.memory_space<hbm>> -> memref<1x512xi32, #tpu.memory_space<hbm>>
    %dma_wait3A_310 = tpu.memref_squeeze %dma_wait3A_309 : memref<1x512xi32, #tpu.memory_space<hbm>> -> memref<512xi32, #tpu.memory_space<hbm>>
    tpu.wait_dma2 semaphore(%arg59 : memref<!tpu.dma_semaphore, #tpu.memory_space<semaphore_mem>>) src(%dma_wait3A_310 : memref<512xi32, #tpu.memory_space<hbm>>) dst(%arg30 : memref<512xi32, #tpu.memory_space<vmem>>)
    %dma_start3A_311 = arith.constant 0 : i32
    %dma_start3A_312 = tpu.memref_slice %arg3[%dma_start3A_311] : memref<1000448xf32, #tpu.memory_space<hbm>> -> memref<1000448xf32, #tpu.memory_space<hbm>>
    tpu.enqueue_indirect_dma source(%dma_start3A_312 : memref<1000448xf32, #tpu.memory_space<hbm>>) target(%arg56 : memref<512xf32, #tpu.memory_space<vmem>>) offsets(%arg30 : memref<512xi32, #tpu.memory_space<vmem>>) semaphore(%arg58 : memref<!tpu.dma_semaphore, #tpu.memory_space<semaphore_mem>>)
    %dma_wait3A_313 = arith.constant 0 : i32
    %dma_wait3A_314 = tpu.memref_slice %arg3[%dma_wait3A_313] : memref<1000448xf32, #tpu.memory_space<hbm>> -> memref<1000448xf32, #tpu.memory_space<hbm>>
    tpu.wait_indirect_dma semaphore(%arg58 : memref<!tpu.dma_semaphore, #tpu.memory_space<semaphore_mem>>) src(%dma_wait3A_314 : memref<1000448xf32, #tpu.memory_space<hbm>>) dst(%arg31 : memref<512xf32, #tpu.memory_space<vmem>>)
    %dma_wait3A_315 = arith.constant 0 : i32
    %dma_wait3A_316 = tpu.memref_slice %arg3[%dma_wait3A_315] : memref<1000448xf32, #tpu.memory_space<hbm>> -> memref<1000448xf32, #tpu.memory_space<hbm>>
    tpu.wait_indirect_dma semaphore(%arg58 : memref<!tpu.dma_semaphore, #tpu.memory_space<semaphore_mem>>) src(%dma_wait3A_316 : memref<1000448xf32, #tpu.memory_space<hbm>>) dst(%arg32 : memref<512xf32, #tpu.memory_space<vmem>>)
    %dma_wait3A_317 = arith.constant 0 : i32
    %dma_wait3A_318 = tpu.memref_slice %arg3[%dma_wait3A_317] : memref<1000448xf32, #tpu.memory_space<hbm>> -> memref<1000448xf32, #tpu.memory_space<hbm>>
    tpu.wait_indirect_dma semaphore(%arg58 : memref<!tpu.dma_semaphore, #tpu.memory_space<semaphore_mem>>) src(%dma_wait3A_318 : memref<1000448xf32, #tpu.memory_space<hbm>>) dst(%arg33 : memref<512xf32, #tpu.memory_space<vmem>>)
    %dma_wait3A_319 = arith.constant 0 : i32
    %dma_wait3A_320 = tpu.memref_slice %arg3[%dma_wait3A_319] : memref<1000448xf32, #tpu.memory_space<hbm>> -> memref<1000448xf32, #tpu.memory_space<hbm>>
    tpu.wait_indirect_dma semaphore(%arg58 : memref<!tpu.dma_semaphore, #tpu.memory_space<semaphore_mem>>) src(%dma_wait3A_320 : memref<1000448xf32, #tpu.memory_space<hbm>>) dst(%arg34 : memref<512xf32, #tpu.memory_space<vmem>>)
    %dma_wait3A_321 = arith.constant 0 : i32
    %dma_wait3A_322 = tpu.memref_slice %arg3[%dma_wait3A_321] : memref<1000448xf32, #tpu.memory_space<hbm>> -> memref<1000448xf32, #tpu.memory_space<hbm>>
    tpu.wait_indirect_dma semaphore(%arg58 : memref<!tpu.dma_semaphore, #tpu.memory_space<semaphore_mem>>) src(%dma_wait3A_322 : memref<1000448xf32, #tpu.memory_space<hbm>>) dst(%arg35 : memref<512xf32, #tpu.memory_space<vmem>>)
    %dma_wait3A_323 = arith.constant 0 : i32
    %dma_wait3A_324 = tpu.memref_slice %arg3[%dma_wait3A_323] : memref<1000448xf32, #tpu.memory_space<hbm>> -> memref<1000448xf32, #tpu.memory_space<hbm>>
    tpu.wait_indirect_dma semaphore(%arg58 : memref<!tpu.dma_semaphore, #tpu.memory_space<semaphore_mem>>) src(%dma_wait3A_324 : memref<1000448xf32, #tpu.memory_space<hbm>>) dst(%arg36 : memref<512xf32, #tpu.memory_space<vmem>>)
    %dma_wait3A_325 = arith.constant 0 : i32
    %dma_wait3A_326 = tpu.memref_slice %arg3[%dma_wait3A_325] : memref<1000448xf32, #tpu.memory_space<hbm>> -> memref<1000448xf32, #tpu.memory_space<hbm>>
    tpu.wait_indirect_dma semaphore(%arg58 : memref<!tpu.dma_semaphore, #tpu.memory_space<semaphore_mem>>) src(%dma_wait3A_326 : memref<1000448xf32, #tpu.memory_space<hbm>>) dst(%arg37 : memref<512xf32, #tpu.memory_space<vmem>>)
    %dma_wait3A_327 = arith.constant 0 : i32
    %dma_wait3A_328 = tpu.memref_slice %arg3[%dma_wait3A_327] : memref<1000448xf32, #tpu.memory_space<hbm>> -> memref<1000448xf32, #tpu.memory_space<hbm>>
    tpu.wait_indirect_dma semaphore(%arg58 : memref<!tpu.dma_semaphore, #tpu.memory_space<semaphore_mem>>) src(%dma_wait3A_328 : memref<1000448xf32, #tpu.memory_space<hbm>>) dst(%arg38 : memref<512xf32, #tpu.memory_space<vmem>>)
    %dma_wait3A_329 = arith.constant 0 : i32
    %dma_wait3A_330 = tpu.memref_slice %arg3[%dma_wait3A_329] : memref<1000448xf32, #tpu.memory_space<hbm>> -> memref<1000448xf32, #tpu.memory_space<hbm>>
    tpu.wait_indirect_dma semaphore(%arg58 : memref<!tpu.dma_semaphore, #tpu.memory_space<semaphore_mem>>) src(%dma_wait3A_330 : memref<1000448xf32, #tpu.memory_space<hbm>>) dst(%arg39 : memref<512xf32, #tpu.memory_space<vmem>>)
    %dma_wait3A_331 = arith.constant 0 : i32
    %dma_wait3A_332 = tpu.memref_slice %arg3[%dma_wait3A_331] : memref<1000448xf32, #tpu.memory_space<hbm>> -> memref<1000448xf32, #tpu.memory_space<hbm>>
    tpu.wait_indirect_dma semaphore(%arg58 : memref<!tpu.dma_semaphore, #tpu.memory_space<semaphore_mem>>) src(%dma_wait3A_332 : memref<1000448xf32, #tpu.memory_space<hbm>>) dst(%arg40 : memref<512xf32, #tpu.memory_space<vmem>>)
    %dma_wait3A_333 = arith.constant 0 : i32
    %dma_wait3A_334 = tpu.memref_slice %arg3[%dma_wait3A_333] : memref<1000448xf32, #tpu.memory_space<hbm>> -> memref<1000448xf32, #tpu.memory_space<hbm>>
    tpu.wait_indirect_dma semaphore(%arg58 : memref<!tpu.dma_semaphore, #tpu.memory_space<semaphore_mem>>) src(%dma_wait3A_334 : memref<1000448xf32, #tpu.memory_space<hbm>>) dst(%arg41 : memref<512xf32, #tpu.memory_space<vmem>>)
    %dma_wait3A_335 = arith.constant 0 : i32
    %dma_wait3A_336 = tpu.memref_slice %arg3[%dma_wait3A_335] : memref<1000448xf32, #tpu.memory_space<hbm>> -> memref<1000448xf32, #tpu.memory_space<hbm>>
    tpu.wait_indirect_dma semaphore(%arg58 : memref<!tpu.dma_semaphore, #tpu.memory_space<semaphore_mem>>) src(%dma_wait3A_336 : memref<1000448xf32, #tpu.memory_space<hbm>>) dst(%arg42 : memref<512xf32, #tpu.memory_space<vmem>>)
    %dma_wait3A_337 = arith.constant 0 : i32
    %dma_wait3A_338 = tpu.memref_slice %arg3[%dma_wait3A_337] : memref<1000448xf32, #tpu.memory_space<hbm>> -> memref<1000448xf32, #tpu.memory_space<hbm>>
    tpu.wait_indirect_dma semaphore(%arg58 : memref<!tpu.dma_semaphore, #tpu.memory_space<semaphore_mem>>) src(%dma_wait3A_338 : memref<1000448xf32, #tpu.memory_space<hbm>>) dst(%arg43 : memref<512xf32, #tpu.memory_space<vmem>>)
    %scan3A = arith.constant 0 : i32
    %scan3A_339 = arith.constant 0 : i32
    %scan3A_340 = arith.constant 32 : i32
    %scan3A_341 = arith.addi %scan3A_339, %scan3A_340 : i32
    %scan3A_342 = arith.constant 1 : i32
    scf.for %scan3A_376 = %scan3A_339 to %scan3A_341 step %scan3A_342  : i32 {
      %mul3A_377 = arith.constant 16 : i32
      %mul3A_378 = arith.muli %scan3A_376, %mul3A_377 : i32
      %multiple_of3A_379 = tpu.assume_multiple %mul3A_378, 16 : i32
      %get3A = arith.index_cast %multiple_of3A_379 : i32 to index
      %get3A_380 = tpu.vector_load %arg31[%get3A] {strides = array<i32>} : memref<512xf32, #tpu.memory_space<vmem>>, vector<16xf32>,
      %get3A_381 = arith.index_cast %multiple_of3A_379 : i32 to index
      %get3A_382 = tpu.vector_load %arg32[%get3A_381] {strides = array<i32>} : memref<512xf32, #tpu.memory_space<vmem>>, vector<16xf32>,
      %add3A_383 = arith.addf %get3A_380, %get3A_382 : vector<16xf32>
      %get3A_384 = arith.index_cast %multiple_of3A_379 : i32 to index
      %get3A_385 = tpu.vector_load %arg33[%get3A_384] {strides = array<i32>} : memref<512xf32, #tpu.memory_space<vmem>>, vector<16xf32>,
      %add3A_386 = arith.addf %add3A_383, %get3A_385 : vector<16xf32>
      %get3A_387 = arith.index_cast %multiple_of3A_379 : i32 to index
      %get3A_388 = tpu.vector_load %arg34[%get3A_387] {strides = array<i32>} : memref<512xf32, #tpu.memory_space<vmem>>, vector<16xf32>,
      %add3A_389 = arith.addf %add3A_386, %get3A_388 : vector<16xf32>
      %get3A_390 = arith.index_cast %multiple_of3A_379 : i32 to index
      %get3A_391 = tpu.vector_load %arg35[%get3A_390] {strides = array<i32>} : memref<512xf32, #tpu.memory_space<vmem>>, vector<16xf32>,
      %add3A_392 = arith.addf %add3A_389, %get3A_391 : vector<16xf32>
      %get3A_393 = arith.index_cast %multiple_of3A_379 : i32 to index
      %get3A_394 = tpu.vector_load %arg36[%get3A_393] {strides = array<i32>} : memref<512xf32, #tpu.memory_space<vmem>>, vector<16xf32>,
      %add3A_395 = arith.addf %add3A_392, %get3A_394 : vector<16xf32>
      %get3A_396 = arith.index_cast %multiple_of3A_379 : i32 to index
      %get3A_397 = tpu.vector_load %arg37[%get3A_396] {strides = array<i32>} : memref<512xf32, #tpu.memory_space<vmem>>, vector<16xf32>,
      %add3A_398 = arith.addf %add3A_395, %get3A_397 : vector<16xf32>
      %get3A_399 = arith.index_cast %multiple_of3A_379 : i32 to index
      %get3A_400 = tpu.vector_load %arg38[%get3A_399] {strides = array<i32>} : memref<512xf32, #tpu.memory_space<vmem>>, vector<16xf32>,
      %add3A_401 = arith.addf %add3A_398, %get3A_400 : vector<16xf32>
      %get3A_402 = arith.index_cast %multiple_of3A_379 : i32 to index
      %get3A_403 = tpu.vector_load %arg39[%get3A_402] {strides = array<i32>} : memref<512xf32, #tpu.memory_space<vmem>>, vector<16xf32>,
      %add3A_404 = arith.addf %add3A_401, %get3A_403 : vector<16xf32>
      %get3A_405 = arith.index_cast %multiple_of3A_379 : i32 to index
      %get3A_406 = tpu.vector_load %arg40[%get3A_405] {strides = array<i32>} : memref<512xf32, #tpu.memory_space<vmem>>, vector<16xf32>,
      %add3A_407 = arith.addf %add3A_404, %get3A_406 : vector<16xf32>
      %get3A_408 = arith.index_cast %multiple_of3A_379 : i32 to index
      %get3A_409 = tpu.vector_load %arg41[%get3A_408] {strides = array<i32>} : memref<512xf32, #tpu.memory_space<vmem>>, vector<16xf32>,
      %add3A_410 = arith.addf %add3A_407, %get3A_409 : vector<16xf32>
      %get3A_411 = arith.index_cast %multiple_of3A_379 : i32 to index
      %get3A_412 = tpu.vector_load %arg42[%get3A_411] {strides = array<i32>} : memref<512xf32, #tpu.memory_space<vmem>>, vector<16xf32>,
      %add3A_413 = arith.addf %add3A_410, %get3A_412 : vector<16xf32>
      %get3A_414 = arith.index_cast %multiple_of3A_379 : i32 to index
      %get3A_415 = tpu.vector_load %arg43[%get3A_414] {strides = array<i32>} : memref<512xf32, #tpu.memory_space<vmem>>, vector<16xf32>,
      %add3A_416 = arith.addf %add3A_413, %get3A_415 : vector<16xf32>
      %swap3A = arith.index_cast %multiple_of3A_379 : i32 to index
      %swap3A_417 = tpu.vector_load %arg57[%swap3A] {strides = array<i32>} : memref<512xf32, #tpu.memory_space<vmem>>, vector<16xf32>,
      tpu.vector_store %arg57[%swap3A], %add3A_416 {strides = array<i32>} : memref<512xf32, #tpu.memory_space<vmem>>, vector<16xf32>,
    }
    %scan3A_343 = arith.constant 32 : i32
    %dma_wait3A_344 = arith.constant 0 : i32
    %dma_wait3A_345 = tpu.memref_slice %arg3[%dma_wait3A_344] : memref<1000448xf32, #tpu.memory_space<hbm>> -> memref<1000448xf32, #tpu.memory_space<hbm>>
    tpu.wait_indirect_dma semaphore(%arg58 : memref<!tpu.dma_semaphore, #tpu.memory_space<semaphore_mem>>) src(%dma_wait3A_345 : memref<1000448xf32, #tpu.memory_space<hbm>>) dst(%arg44 : memref<512xf32, #tpu.memory_space<vmem>>)
    %dma_wait3A_346 = arith.constant 0 : i32
    %dma_wait3A_347 = tpu.memref_slice %arg3[%dma_wait3A_346] : memref<1000448xf32, #tpu.memory_space<hbm>> -> memref<1000448xf32, #tpu.memory_space<hbm>>
    tpu.wait_indirect_dma semaphore(%arg58 : memref<!tpu.dma_semaphore, #tpu.memory_space<semaphore_mem>>) src(%dma_wait3A_347 : memref<1000448xf32, #tpu.memory_space<hbm>>) dst(%arg45 : memref<512xf32, #tpu.memory_space<vmem>>)
    %dma_wait3A_348 = arith.constant 0 : i32
    %dma_wait3A_349 = tpu.memref_slice %arg3[%dma_wait3A_348] : memref<1000448xf32, #tpu.memory_space<hbm>> -> memref<1000448xf32, #tpu.memory_space<hbm>>
    tpu.wait_indirect_dma semaphore(%arg58 : memref<!tpu.dma_semaphore, #tpu.memory_space<semaphore_mem>>) src(%dma_wait3A_349 : memref<1000448xf32, #tpu.memory_space<hbm>>) dst(%arg46 : memref<512xf32, #tpu.memory_space<vmem>>)
    %dma_wait3A_350 = arith.constant 0 : i32
    %dma_wait3A_351 = tpu.memref_slice %arg3[%dma_wait3A_350] : memref<1000448xf32, #tpu.memory_space<hbm>> -> memref<1000448xf32, #tpu.memory_space<hbm>>
    tpu.wait_indirect_dma semaphore(%arg58 : memref<!tpu.dma_semaphore, #tpu.memory_space<semaphore_mem>>) src(%dma_wait3A_351 : memref<1000448xf32, #tpu.memory_space<hbm>>) dst(%arg47 : memref<512xf32, #tpu.memory_space<vmem>>)
    %dma_wait3A_352 = arith.constant 0 : i32
    %dma_wait3A_353 = tpu.memref_slice %arg3[%dma_wait3A_352] : memref<1000448xf32, #tpu.memory_space<hbm>> -> memref<1000448xf32, #tpu.memory_space<hbm>>
    tpu.wait_indirect_dma semaphore(%arg58 : memref<!tpu.dma_semaphore, #tpu.memory_space<semaphore_mem>>) src(%dma_wait3A_353 : memref<1000448xf32, #tpu.memory_space<hbm>>) dst(%arg48 : memref<512xf32, #tpu.memory_space<vmem>>)
    %dma_wait3A_354 = arith.constant 0 : i32
    %dma_wait3A_355 = tpu.memref_slice %arg3[%dma_wait3A_354] : memref<1000448xf32, #tpu.memory_space<hbm>> -> memref<1000448xf32, #tpu.memory_space<hbm>>
    tpu.wait_indirect_dma semaphore(%arg58 : memref<!tpu.dma_semaphore, #tpu.memory_space<semaphore_mem>>) src(%dma_wait3A_355 : memref<1000448xf32, #tpu.memory_space<hbm>>) dst(%arg49 : memref<512xf32, #tpu.memory_space<vmem>>)
    %dma_wait3A_356 = arith.constant 0 : i32
    %dma_wait3A_357 = tpu.memref_slice %arg3[%dma_wait3A_356] : memref<1000448xf32, #tpu.memory_space<hbm>> -> memref<1000448xf32, #tpu.memory_space<hbm>>
    tpu.wait_indirect_dma semaphore(%arg58 : memref<!tpu.dma_semaphore, #tpu.memory_space<semaphore_mem>>) src(%dma_wait3A_357 : memref<1000448xf32, #tpu.memory_space<hbm>>) dst(%arg50 : memref<512xf32, #tpu.memory_space<vmem>>)
    %dma_wait3A_358 = arith.constant 0 : i32
    %dma_wait3A_359 = tpu.memref_slice %arg3[%dma_wait3A_358] : memref<1000448xf32, #tpu.memory_space<hbm>> -> memref<1000448xf32, #tpu.memory_space<hbm>>
    tpu.wait_indirect_dma semaphore(%arg58 : memref<!tpu.dma_semaphore, #tpu.memory_space<semaphore_mem>>) src(%dma_wait3A_359 : memref<1000448xf32, #tpu.memory_space<hbm>>) dst(%arg51 : memref<512xf32, #tpu.memory_space<vmem>>)
    %dma_wait3A_360 = arith.constant 0 : i32
    %dma_wait3A_361 = tpu.memref_slice %arg3[%dma_wait3A_360] : memref<1000448xf32, #tpu.memory_space<hbm>> -> memref<1000448xf32, #tpu.memory_space<hbm>>
    tpu.wait_indirect_dma semaphore(%arg58 : memref<!tpu.dma_semaphore, #tpu.memory_space<semaphore_mem>>) src(%dma_wait3A_361 : memref<1000448xf32, #tpu.memory_space<hbm>>) dst(%arg52 : memref<512xf32, #tpu.memory_space<vmem>>)
    %dma_wait3A_362 = arith.constant 0 : i32
    %dma_wait3A_363 = tpu.memref_slice %arg3[%dma_wait3A_362] : memref<1000448xf32, #tpu.memory_space<hbm>> -> memref<1000448xf32, #tpu.memory_space<hbm>>
    tpu.wait_indirect_dma semaphore(%arg58 : memref<!tpu.dma_semaphore, #tpu.memory_space<semaphore_mem>>) src(%dma_wait3A_363 : memref<1000448xf32, #tpu.memory_space<hbm>>) dst(%arg53 : memref<512xf32, #tpu.memory_space<vmem>>)
    %dma_wait3A_364 = arith.constant 0 : i32
    %dma_wait3A_365 = tpu.memref_slice %arg3[%dma_wait3A_364] : memref<1000448xf32, #tpu.memory_space<hbm>> -> memref<1000448xf32, #tpu.memory_space<hbm>>
    tpu.wait_indirect_dma semaphore(%arg58 : memref<!tpu.dma_semaphore, #tpu.memory_space<semaphore_mem>>) src(%dma_wait3A_365 : memref<1000448xf32, #tpu.memory_space<hbm>>) dst(%arg54 : memref<512xf32, #tpu.memory_space<vmem>>)
    %dma_wait3A_366 = arith.constant 0 : i32
    %dma_wait3A_367 = tpu.memref_slice %arg3[%dma_wait3A_366] : memref<1000448xf32, #tpu.memory_space<hbm>> -> memref<1000448xf32, #tpu.memory_space<hbm>>
    tpu.wait_indirect_dma semaphore(%arg58 : memref<!tpu.dma_semaphore, #tpu.memory_space<semaphore_mem>>) src(%dma_wait3A_367 : memref<1000448xf32, #tpu.memory_space<hbm>>) dst(%arg55 : memref<512xf32, #tpu.memory_space<vmem>>)
    %dma_wait3A_368 = arith.constant 0 : i32
    %dma_wait3A_369 = tpu.memref_slice %arg3[%dma_wait3A_368] : memref<1000448xf32, #tpu.memory_space<hbm>> -> memref<1000448xf32, #tpu.memory_space<hbm>>
    tpu.wait_indirect_dma semaphore(%arg58 : memref<!tpu.dma_semaphore, #tpu.memory_space<semaphore_mem>>) src(%dma_wait3A_369 : memref<1000448xf32, #tpu.memory_space<hbm>>) dst(%arg56 : memref<512xf32, #tpu.memory_space<vmem>>)
    %scan3A_370 = arith.constant 0 : i32
    %scan3A_371 = arith.constant 0 : i32
    %scan3A_372 = arith.constant 32 : i32
    %scan3A_373 = arith.addi %scan3A_371, %scan3A_372 : i32
    %scan3A_374 = arith.constant 1 : i32
    scf.for %scan3A_376 = %scan3A_371 to %scan3A_373 step %scan3A_374  : i32 {
      %mul3A_377 = arith.constant 16 : i32
      %mul3A_378 = arith.muli %scan3A_376, %mul3A_377 : i32
      %multiple_of3A_379 = tpu.assume_multiple %mul3A_378, 16 : i32
      %get3A = arith.index_cast %multiple_of3A_379 : i32 to index
      %get3A_380 = tpu.vector_load %arg57[%get3A] {strides = array<i32>} : memref<512xf32, #tpu.memory_space<vmem>>, vector<16xf32>,
      %get3A_381 = arith.index_cast %multiple_of3A_379 : i32 to index
      %get3A_382 = tpu.vector_load %arg44[%get3A_381] {strides = array<i32>} : memref<512xf32, #tpu.memory_space<vmem>>, vector<16xf32>,
      %add3A_383 = arith.addf %get3A_380, %get3A_382 : vector<16xf32>
      %get3A_384 = arith.index_cast %multiple_of3A_379 : i32 to index
      %get3A_385 = tpu.vector_load %arg45[%get3A_384] {strides = array<i32>} : memref<512xf32, #tpu.memory_space<vmem>>, vector<16xf32>,
      %add3A_386 = arith.addf %add3A_383, %get3A_385 : vector<16xf32>
      %get3A_387 = arith.index_cast %multiple_of3A_379 : i32 to index
      %get3A_388 = tpu.vector_load %arg46[%get3A_387] {strides = array<i32>} : memref<512xf32, #tpu.memory_space<vmem>>, vector<16xf32>,
      %add3A_389 = arith.addf %add3A_386, %get3A_388 : vector<16xf32>
      %get3A_390 = arith.index_cast %multiple_of3A_379 : i32 to index
      %get3A_391 = tpu.vector_load %arg47[%get3A_390] {strides = array<i32>} : memref<512xf32, #tpu.memory_space<vmem>>, vector<16xf32>,
      %add3A_392 = arith.addf %add3A_389, %get3A_391 : vector<16xf32>
      %get3A_393 = arith.index_cast %multiple_of3A_379 : i32 to index
      %get3A_394 = tpu.vector_load %arg48[%get3A_393] {strides = array<i32>} : memref<512xf32, #tpu.memory_space<vmem>>, vector<16xf32>,
      %add3A_395 = arith.addf %add3A_392, %get3A_394 : vector<16xf32>
      %get3A_396 = arith.index_cast %multiple_of3A_379 : i32 to index
      %get3A_397 = tpu.vector_load %arg49[%get3A_396] {strides = array<i32>} : memref<512xf32, #tpu.memory_space<vmem>>, vector<16xf32>,
      %add3A_398 = arith.addf %add3A_395, %get3A_397 : vector<16xf32>
      %get3A_399 = arith.index_cast %multiple_of3A_379 : i32 to index
      %get3A_400 = tpu.vector_load %arg50[%get3A_399] {strides = array<i32>} : memref<512xf32, #tpu.memory_space<vmem>>, vector<16xf32>,
      %add3A_401 = arith.addf %add3A_398, %get3A_400 : vector<16xf32>
      %get3A_402 = arith.index_cast %multiple_of3A_379 : i32 to index
      %get3A_403 = tpu.vector_load %arg51[%get3A_402] {strides = array<i32>} : memref<512xf32, #tpu.memory_space<vmem>>, vector<16xf32>,
      %add3A_404 = arith.addf %add3A_401, %get3A_403 : vector<16xf32>
      %get3A_405 = arith.index_cast %multiple_of3A_379 : i32 to index
      %get3A_406 = tpu.vector_load %arg52[%get3A_405] {strides = array<i32>} : memref<512xf32, #tpu.memory_space<vmem>>, vector<16xf32>,
      %add3A_407 = arith.addf %add3A_404, %get3A_406 : vector<16xf32>
      %get3A_408 = arith.index_cast %multiple_of3A_379 : i32 to index
      %get3A_409 = tpu.vector_load %arg53[%get3A_408] {strides = array<i32>} : memref<512xf32, #tpu.memory_space<vmem>>, vector<16xf32>,
      %add3A_410 = arith.addf %add3A_407, %get3A_409 : vector<16xf32>
      %get3A_411 = arith.index_cast %multiple_of3A_379 : i32 to index
      %get3A_412 = tpu.vector_load %arg54[%get3A_411] {strides = array<i32>} : memref<512xf32, #tpu.memory_space<vmem>>, vector<16xf32>,
      %add3A_413 = arith.addf %add3A_410, %get3A_412 : vector<16xf32>
      %get3A_414 = arith.index_cast %multiple_of3A_379 : i32 to index
      %get3A_415 = tpu.vector_load %arg55[%get3A_414] {strides = array<i32>} : memref<512xf32, #tpu.memory_space<vmem>>, vector<16xf32>,
      %add3A_416 = arith.addf %add3A_413, %get3A_415 : vector<16xf32>
      %get3A_417 = arith.index_cast %multiple_of3A_379 : i32 to index
      %get3A_418 = tpu.vector_load %arg56[%get3A_417] {strides = array<i32>} : memref<512xf32, #tpu.memory_space<vmem>>, vector<16xf32>,
      %add3A_419 = arith.addf %add3A_416, %get3A_418 : vector<16xf32>
      %swap3A = arith.index_cast %multiple_of3A_379 : i32 to index
      %swap3A_420 = tpu.vector_load %arg57[%swap3A] {strides = array<i32>} : memref<512xf32, #tpu.memory_space<vmem>>, vector<16xf32>,
      tpu.vector_store %arg57[%swap3A], %add3A_419 {strides = array<i32>} : memref<512xf32, #tpu.memory_space<vmem>>, vector<16xf32>,
    }
    %scan3A_375 = arith.constant 32 : i32
    "tpu.region"() ({
      %run_scoped3A = tpu.sem_alloc : memref<!tpu.dma_semaphore, #tpu.memory_space<semaphore_mem>>
      %dma_start3A_376 = tpu.memref_slice %arg4[%multiple_of3A] : memref<16384xf32, #tpu.memory_space<hbm>> -> memref<512xf32, #tpu.memory_space<hbm>>
      %dma_start3A_377 = tpu.memref_slice %arg4[%multiple_of3A] : memref<16384xf32, #tpu.memory_space<hbm>> -> memref<512xf32, #tpu.memory_space<hbm>>
      tpu.enqueue_dma source(%arg57 : memref<512xf32, #tpu.memory_space<vmem>>) target(%dma_start3A_377 : memref<512xf32, #tpu.memory_space<hbm>>) target_semaphore(%run_scoped3A : memref<!tpu.dma_semaphore, #tpu.memory_space<semaphore_mem>>)
      %dma_wait3A_378 = tpu.memref_slice %arg4[%multiple_of3A] : memref<16384xf32, #tpu.memory_space<hbm>> -> memref<512xf32, #tpu.memory_space<hbm>>
      %dma_wait3A_379 = tpu.memref_slice %arg4[%multiple_of3A] : memref<16384xf32, #tpu.memory_space<hbm>> -> memref<512xf32, #tpu.memory_space<hbm>>
      tpu.wait_dma2 semaphore(%run_scoped3A : memref<!tpu.dma_semaphore, #tpu.memory_space<semaphore_mem>>) src(%arg57 : memref<512xf32, #tpu.memory_space<vmem>>) dst(%dma_wait3A_379 : memref<512xf32, #tpu.memory_space<hbm>>)
      tpu.yield
    }) : () -> ()
    return
  }
}

</mosaic_0001>

<sc_bundles>
// kernel: kernel.3.cloned.1.call-start
scs
__scs_entry_jumppad:
0x0: {  	(pc) =	sbr.rel $0x88, $3  }
0x1: {  	(tag) =	ssettag $0x0;
	lr =	simm.s32 $0x1  }
0x2: {  	[smem:$0x3F9F] =	sst lr;
	_ =	strace $0xD0000000  }
0x3: {  	_ = 	snop  }
0x4: {  	_ = 	snop  }
0x5: {  	_ = 	snop  }
0x6: {  	_ = 	snop  }
0x7: {  	_ = 	snop  }
__scs_overlays_trampoline_lowered:
0x8: {  	[smem:$0x3FAE] =	sst s0  }
0x9: {  	[smem:$0x3FAF] =	sst s1  }
0xa: {  	[smem:$0x3FB0] =	sst s2  }
0xb: {  	[smem:$0x3FB1] =	sst s3  }
0xc: {  	[smem:$0x3FB2] =	sst s4  }
0xd: {  	[smem:$0x3FB3] =	sst s5  }
0xe: {  	[smem:$0x3FB4] =	sst s6  }
0xf: {  	[smem:$0x3FB5] =	sst s7  }
0x10: {  	[smem:$0x3FB6] =	sst s8  }
0x11: {  	[smem:$0x3FB7] =	sst s9;
	s0 =	simm.s32 @!p0 $0x0  }
0x12: {  	s1 =	sld [smem:$0x3F9D];
	s0 =	simm.s32 @p0 $0x1  }
0x13: {  	[smem:$0x3FB8] =	sst s0;
	s0 =	simm.s32 @!p1 $0x0  }
0x14: {  	s2 =	sld [smem:$0x3F9C];
	s0 =	simm.s32 @p1 $0x1  }
0x15: {  	[smem:$0x3FB9] =	sst s0;
	s0 =	simm.s32 @!p2 $0x0  }
0x16: {  	s3 =	sld [smem:$0x3FDB];
	s0 =	simm.s32 @p2 $0x1  }
0x17: {  	s4 =	simm.s32 $0x1BF5;
	[smem:$0x3FBB] =	sst s0  }
0x18: {  	s0 =	sld [smem:$0x3F9E];
	_ =	swait.ge [sflag:s4], $0x0  }
0x19: {  	s7 =	sld [smem:$0x3F9F]  }
0x1a: {  	s8 =	sadd.s32 $0xFFFFE003, lr  }
0x1b: {  	s9 =	sadd.s32 $0xFFFFFEF7, lr;
	s5 =	simm.s32 $0xFFFFFFFF;
	p2 =	slt.u32 s8, $0xFFFFF086  }
0x1c: {  	p1 =	slt.u32 s9, $0xF7A;
	s5 =	simm.s32 @!p2 $0x0  }
0x1d: {  	s5 =	simm.s32 @p1 $0x1;
	p0 =	seq.s32 s7, s2  }
0x1e: {  	s7 =	smul.u32 @!p0 $0xF7A, s2;
	p2 =	seq.s32 @!p0 s5, $0x0  }
0x1f: {  	s9 =	smul.u32 $0xF7A, s1;
	s8 =	simm.s32 @!p0 $0x1BF5;
	p2 =	por !p2, p0  }
0x20: {  	[sflag:s8] =	ssyncset.s32 @!p0 $0xFFFFF086;
	s6 =	sadd.s32 @!p0 s3, s7;
	s7 =	simm.s32 @!p0 $0x108  }
0x21: {  	s3 =	sadd.s32 s3, s9;
	s6 =	sadd.s32 @!p0 $0x88, s6;
	s7 =	simm.s32 @p2 $0x1082  }
0x22: {  	[simem:s7], [sflag:s8] =	dma.local @!p0 [hbm:s6], $0xF7A  }
0x23: {  	s9 =	sor.u32 $0xD0000000, s2;
	s6 =	simm.s32 $0x108;
	_ =	swait.ge @!p0 [sflag:s8], $0x0  }
0x24: {  	s3 =	sadd.s32 $0x88, s3;
	s6 =	simm.s32 @!p1 $0x1082;
	[sflag:s4] =	ssyncset.s32 $0xFFFFF086  }
0x25: {  	[simem:s6], [sflag:s4] =	dma.local [hbm:s3], $0xF7A  }
0x26: {  	[smem:$0x3F9F] =	sst s1;
	(tag) =	ssettag s2;
	_ =	strace s9  }
0x27: {  	s1 =	sld [smem:$0x3FAF]  }
0x28: {  	s2 =	sld [smem:$0x3FB0]  }
0x29: {  	s4 =	sld [smem:$0x3FB2]  }
0x2a: {  	p0 =	seq.s32 s5, $0x0;
	s5 =	sld [smem:$0x3FB3]  }
0x2b: {  	s6 =	sld [smem:$0x3FB4]  }
0x2c: {  	s7 =	sld [smem:$0x3FB5]  }
0x2d: {  	s3 =	simm.s32 $0x108;
	s8 =	sld [smem:$0x3FB6]  }
0x2e: {  	s3 =	simm.s32 @!p0 $0x1082;
	s9 =	sld [smem:$0x3FB7]  }
0x2f: {  	lr =	sadd.s32 s0, s3;
	s0 =	sld [smem:$0x3FAE]  }
0x30: {  	s3 =	sld [smem:$0x3FB1]  }
0x31: {  	[smem:$0x3FBA] =	sst s10  }
0x32: {  	s10 =	sld [smem:$0x3FB8];
	_ =	sdelay $0x3  }
0x33: {  	p0 =	seq.s32 s10, $0x1;
	s10 =	sld [smem:$0x3FBA];
	_ =	sdelay $0x3  }
0x34: {  	[smem:$0x3FBA] =	sst s10  }
0x35: {  	s10 =	sld [smem:$0x3FB9];
	_ =	sdelay $0x3  }
0x36: {  	p1 =	seq.s32 s10, $0x1;
	s10 =	sld [smem:$0x3FBA];
	_ =	sdelay $0x3  }
0x37: {  	[smem:$0x3FBA] =	sst s10  }
0x38: {  	s10 =	sld [smem:$0x3FBB]  }
0x39: {  	_ = 	snop;
	(pc) =	sbr.ind lr, $3  }
0x3a: {  	_ = 	snop  }
0x3b: {  	_ = 	snop  }
0x3c: {  	p2 =	seq.s32 s10, $0x1;
	s10 =	sld [smem:$0x3FBA]  }
0x3d: {  	_ =	shalt  }
0x3e: {  	_ =	shalt  }
0x3f: {  	_ =	shalt  }
0x40: {  	_ =	shalt  }
0x41: {  	_ =	shalt  }
0x42: {  	_ =	shalt  }
0x43: {  	_ =	shalt  }
0x44: {  	_ =	shalt  }
0x45: {  	_ =	shalt  }
0x46: {  	_ =	shalt  }
0x47: {  	_ =	shalt  }
0x48: {  	_ =	shalt  }
0x49: {  	_ =	shalt  }
0x4a: {  	_ =	shalt  }
0x4b: {  	_ =	shalt  }
0x4c: {  	_ =	shalt  }
0x4d: {  	_ =	shalt  }
0x4e: {  	_ =	shalt  }
0x4f: {  	_ =	shalt  }
0x50: {  	_ =	shalt  }
0x51: {  	_ =	shalt  }
0x52: {  	_ =	shalt  }
0x53: {  	_ =	shalt  }
0x54: {  	_ =	shalt  }
0x55: {  	_ =	shalt  }
0x56: {  	_ =	shalt  }
0x57: {  	_ =	shalt  }
0x58: {  	_ =	shalt  }
0x59: {  	_ =	shalt  }
0x5a: {  	_ =	shalt  }
0x5b: {  	_ =	shalt  }
0x5c: {  	_ =	shalt  }
0x5d: {  	_ =	shalt  }
0x5e: {  	_ =	shalt  }
0x5f: {  	_ =	shalt  }
0x60: {  	_ =	shalt  }
0x61: {  	_ =	shalt  }
0x62: {  	_ =	shalt  }
0x63: {  	_ =	shalt  }
0x64: {  	_ =	shalt  }
0x65: {  	_ =	shalt  }
0x66: {  	_ =	shalt  }
0x67: {  	_ =	shalt  }
0x68: {  	_ =	shalt  }
0x69: {  	_ =	shalt  }
0x6a: {  	_ =	shalt  }
0x6b: {  	_ =	shalt  }
0x6c: {  	_ =	shalt  }
0x6d: {  	_ =	shalt  }
0x6e: {  	_ =	shalt  }
0x6f: {  	_ =	shalt  }
0x70: {  	_ =	shalt  }
0x71: {  	_ =	shalt  }
0x72: {  	_ =	shalt  }
0x73: {  	_ =	shalt  }
0x74: {  	_ =	shalt  }
0x75: {  	_ =	shalt  }
0x76: {  	_ =	shalt  }
0x77: {  	_ =	shalt  }
0x78: {  	_ =	shalt  }
0x79: {  	_ =	shalt  }
0x7a: {  	_ =	shalt  }
0x7b: {  	_ =	shalt  }
0x7c: {  	_ =	shalt  }
0x7d: {  	_ =	shalt  }
0x7e: {  	_ =	shalt  }
0x7f: {  	_ =	shalt  }
0x80: {  	_ =	shalt  }
0x81: {  	_ =	shalt  }
0x82: {  	_ =	shalt  }
0x83: {  	_ =	shalt  }
0x84: {  	_ =	shalt  }
0x85: {  	_ =	shalt  }
0x86: {  	_ =	shalt  }
0x87: {  	_ =	shalt  }
.Lfunc_end0:
.L_simem_size_0:
called_computation_lowered:
.L_overlay_start_0:
0x88: {  	s2 =	sld [smem:$0x3FD9]  }
0x89: {  	s3 =	sld [smem:$0x3FFE];
	_ =	sdelay $0x1  }
0x8a: {  	s1 =	srdreg.scid  }
0x8b: {  	s0 =	sand.u32 $0x1, s1  }
0x8c: {  	s17 =	sshll.u32 s0, $0xA;
	s2 =	sadd.s32 s3, s2  }
0x8d: {  	s2 =	sadd.s32 s2, s17  }
0x8e: {  	[smem:$0x3FC6] =	sst s2  }
0x8f: {  	_ = 	snop  }
0x90: {  	s2 =	sld [smem:$0x3FC9]  }
0x91: {  	s18 =	sld [smem:$0x3FD0];
	(tm) =	ssettm $0x1  }
0x92: {  	s4 =	sld [smem:$0x3FFB];
	_ =	sdelay $0x3  }
0x93: {  	_ =	strace s4  }
0x94: {  	s4 =	sld [smem:$0x3FFC];
	_ =	sdelay $0x3  }
0x95: {  	_ =	strace s4  }
0x96: {  	s4 =	sld [smem:$0x3FFD];
	_ =	sdelay $0x3  }
0x97: {  	_ =	strace s4  }
0x98: {  	_ =	strace $0x8FFFFFFF  }
0x99: {  	s19 =	sld [smem:$0x3FDB];
	_ =	sdelay $0x1  }
0x9a: {  	s5 =	simm.s32 $_scs_section_size  }
0x9b: {  	s6 =	simm.s32 $_size__tile_overlayer_lowered;
	s7 =	simm.s32 $_tile_overlayer_lowered  }
0x9c: {  	s22 =	simm.s32 $0x1BFF;
	s21 =	sshll.u32 s7, $0x1;
	s4 =	sadd.s32 s5, s19  }
0x9d: {  	s8 =	simm.s32 $0x0;
	s20 =	sshll.u32 s6, $0x1;
	s6 =	sadd.s32 s21, s4  }
0x9e: {  	[timem:s8], [sflag:s22] =	dma.local [hbm:s6], s20  }
0x9f: {  	_ =	swait.ge [sflag:s22], s20  }
0xa0: {  	s5 =	ssub.s32 $0x0, s20;
	[sflag:s22] =	ssyncset.done $0x0  }
0xa1: {  	[sflag:s22] =	ssyncadd.s32 s5;
	_ =	sdelay $0x1  }
0xa2: {  	s23 =	simm.s32 $0x1B8B  }
0xa3: {  	_ =	swait.ge [sflag:s23], $0x1  }
0xa4: {  	[sflag:s23] =	ssyncset.done $0x0  }
0xa5: {  	s25 =	simm.s32 $0x1B8E;
	s24 =	sld [smem:$0x3FFE];
	[sflag:s23] =	ssyncadd.s32 $0xFFFFFFFF  }
0xa6: {  	s26 =	simm.s32 $execute0_lowered;
	[smem:$0x3FD2] =	sst s25  }
0xa7: {  	s6 =	sshll.u32 s26, $0x1;
	_ =	strace $0x80000046;
	[dreg:$0x1] =	wrdreg $0xFFFFFFFF  }
0xa8: {  	s28 =	simm.s32 $_size_execute0_lowered;
	s4 =	sadd.s32 s4, s6;
	[dreg:$0x0] =	wrdreg $0x0  }
0xa9: {  	s6 =	sshll.u32 s28, $0x1;
	[dreg:$0x2] =	wrdreg s4  }
0xaa: {  	[dreg:$0x3] =	wrdreg s6  }
0xab: {  	[dreg:$0x4] =	wrdreg $0xC0  }
0xac: {  	_ =	task [dreg:s8], $0x5FFFF  }
0xad: {  	[dreg:$0x1] =	wrdreg $0xFFFFFFFF  }
0xae: {  	[dreg:$0x0] =	wrdreg $0x60  }
0xaf: {  	[dreg:$0x2] =	wrdreg s2  }
0xb0: {  	[dreg:$0x3] =	wrdreg s24  }
0xb1: {  	[dreg:$0x4] =	wrdreg s18  }
0xb2: {  	[dreg:$0x5] =	wrdreg $0x9  }
0xb3: {  	_ =	task.clear_ibuf [dreg:s8], $0x6FFFF;
	_ =	strace $0x90000046  }
0xb4: {  	s29 =	simm.s32 $0x9;
	_ =	strace $0x80000048  }
0xb5: {  	_ =	swait.ge [sflag:s29], $0x1  }
0xb6: {  	[sflag:s29] =	ssyncadd.s32 $0xFFFFFFFF  }
0xb7: {  	_ =	strace $0x90000048  }
0xb8: {  	_ =	sfence  }
0xb9: {  	s30 =	sld [smem:$0x0];
	_ =	sdelay $0x2  }
0xba: {  	s31 =	sshll.u32 s1, $0xD;
	s1 =	sshrl.u32 s1, $0x2  }
0xbb: {  	s3 =	sand.u32 $0x4000, s31;
	s1 =	sadd.s32 s1, s30  }
0xbc: {  	s0 =	sor.u32 s3, s0;
	s1 =	sshll.u32 s1, $0x11  }
0xbd: {  	s0 =	sor.u32 s1, s0  }
0xbe: {  	s0 =	sadd.s32 $0x8F2B, s0  }
0xbf: {  	[sflag:s0] =	ssyncadd.remote.s32 $0x1  }
0xc0: {  	_ =	sfence.sel $0xFFFF  }
0xc1: {  	[dreg:$0x0] =	wrdreg $0xFFFFFFFF;
	(pc) =	sbr.abs _section_cstart, $3  }
0xc2: {  	[dreg:$0x1] =	wrdreg $0xFFFFFFFF  }
0xc3: {  	_ =	task.clear_ibuf [dreg:s8], $0x2FFFF;
	_ =	strace $0x9FFFFFFF  }
0xc4: {  	(tm) =	ssettm $0x7FFFFFFF  }
0xc5: {  	_ =	shalt  }
tec
execute0_lowered:
.L_overlay_start_1:
0x0: {  	(tag) =	ssettag $0x1  }
0x1: {  	s2 =	srdreg.scid  }
0x2: {  	s0 =	rddreg [dreg:$0x0];
	s4 =	stileid.u32;
	s3 =	sand.u32 $0x1, s2  }
0x3: {  	s1 =	rddreg [dreg:$0x1];
	s4 =	sshll.u32 s4, $0xA;
	s6 =	sshll.u32 s3, $0x9  }
0x4: {  	s5 =	rddreg [dreg:$0x2];
	s2 =	simm.s32 $0x0;
	s6 =	sor.u32 s6, s4  }
0x5: {  	[smem:$0x7FF] =	sst s2;
	s7 =	ssub.s32 $0x2, s3;
	s3 =	sadd.s32 s0, s6  }
0x6: {  	_ =	strace $0x80000047;
	s23 =	sadd.s32 $0x10, s3;
	[dreg:$0x1f] =	wrdreg s3  }
0x7: {  	s24 =	sadd.s32 $0x20, s3;
	[dreg:$0x4] =	wrdreg s23  }
0x8: {  	s25 =	sadd.s32 $0x30, s3;
	[dreg:$0x5] =	wrdreg s24  }
0x9: {  	s26 =	sadd.s32 $0x40, s3;
	[dreg:$0x6] =	wrdreg s25  }
0xa: {  	s8 =	sshrl.u32 s7, $0x1;
	s31 =	sadd.s32 $0x50, s3;
	[dreg:$0x7] =	wrdreg s26  }
0xb: {  	s22 =	ssub.s32 s7, s8;
	s7 =	sadd.s32 $0x60, s3;
	[dreg:$0x8] =	wrdreg s31  }
0xc: {  	s8 =	sadd.s32 $0x70, s3;
	[dreg:$0x9] =	wrdreg s7  }
0xd: {  	s9 =	sadd.s32 $0x4000, s3;
	[dreg:$0xa] =	wrdreg s8  }
0xe: {  	s10 =	sadd.s32 $0x4010, s3;
	[dreg:$0xb] =	wrdreg s9  }
0xf: {  	s11 =	sadd.s32 $0x4020, s3;
	[dreg:$0xc] =	wrdreg s10  }
0x10: {  	s12 =	sadd.s32 $0x4030, s3;
	[dreg:$0xd] =	wrdreg s11  }
0x11: {  	s13 =	sadd.s32 $0x4040, s3;
	[dreg:$0xe] =	wrdreg s12  }
0x12: {  	s14 =	sadd.s32 $0x4050, s3;
	[dreg:$0xf] =	wrdreg s13  }
0x13: {  	s15 =	sadd.s32 $0x4060, s3;
	[dreg:$0x10] =	wrdreg s14  }
0x14: {  	s16 =	sadd.s32 $0x4070, s3;
	[dreg:$0x11] =	wrdreg s15  }
0x15: {  	s29 =	simm.s32 $0x2;
	s17 =	sadd.s32 $0x8000, s3;
	[dreg:$0x12] =	wrdreg s16  }
0x16: {  	s28 =	simm.s32 $0x2A00;
	s18 =	sadd.s32 $0x8010, s3;
	[dreg:$0x13] =	wrdreg s17  }
0x17: {  	s20 =	sshrl.u32 s6, $0x3;
	s19 =	sadd.s32 $0x8020, s3;
	[dreg:$0x14] =	wrdreg s18  }
0x18: {  	s4 =	sadd.s32 $0x400, s1;
	s1 =	sadd.s32 s5, s20;
	[dreg:$0x15] =	wrdreg s19  }
0x19: {  	s30 =	simm.s32 $0x0;
	s21 =	sadd.s32 $0x8030, s3;
	[dreg:$0x16] =	wrdreg s1  }
0x1a: {  	s6 =	simm.s32 $0x200;
	s0 =	smax.u32 s22, $0x1;
	[dreg:$0x17] =	wrdreg s21  }
0x1b: {  	s22 =	sadd.s32 $0x8040, s3;
	s5 =	simm.s32 $0x400;
	[dreg:$0x18] =	wrdreg s0  }
0x1c: {  	s20 =	simm.s32 $0x1A00;
	[dreg:$0x19] =	wrdreg s22;
	s23 =	sadd.s32 $0x8050, s3  }
0x1d: {  	s24 =	sadd.s32 $0x8060, s3;
	s25 =	sadd.s32 $0x8070, s3;
	s26 =	sadd.s32 $0xC000, s3  }
0x1e: {  	s31 =	sadd.s32 $0xC010, s3;
	s1 =	simm.s32 $0x80;
	s9 =	simm.s32 $0x1  }
0x1f: {  	s10 =	simm.s32 $0x0;
	s13 =	simm.s32 $0xC00;
	s14 =	simm.s32 $0xE00  }
0x20: {  	s15 =	simm.s32 $0x1000;
	s16 =	simm.s32 $0x1200;
	[dreg:$0x1a] =	wrdreg s23  }
0x21: {  	s17 =	simm.s32 $0x1400;
	s18 =	simm.s32 $0x1600;
	[dreg:$0x1b] =	wrdreg s24  }
0x22: {  	s19 =	simm.s32 $0x1800;
	s21 =	simm.s32 $0x1C00;
	[dreg:$0x1c] =	wrdreg s25  }
0x23: {  	s22 =	simm.s32 $0x1E00;
	s7 =	simm.s32 $0x2800;
	[dreg:$0x1d] =	wrdreg s26  }
0x24: {  	s8 =	simm.s32 $0x2C00;
	[dreg:$0x1e] =	wrdreg s31;
	s23 =	simm.s32 $0x2000  }
0x25: {  	s24 =	simm.s32 $0x2200;
	s25 =	simm.s32 $0x2400;
	s26 =	simm.s32 $0x2600  }
.LBB2_1:
0x26: {  	s0 =	rddreg [dreg:$0x1f]  }
0x27: {  	[tilespmem:s2], [sflag:$0x2] =	stream.strided.gather [hbm4b:s0+s1], $0x200, s5, s1, $0x38;
	[tilespmem:$0x6A00] =	vst v63  }
0x28: {  	s3 =	rddreg [dreg:$0x4]  }
0x29: {  	[tilespmem:s6], [sflag:$0x2] =	stream.strided.gather [hbm4b:s3+s1], $0x200, s5, s1, $0x38;
	[tilespmem:$0x6A00] =	vst v63  }
0x2a: {  	s11 =	rddreg [dreg:$0x5]  }
0x2b: {  	[tilespmem:s5], [sflag:$0x2] =	stream.strided.gather [hbm4b:s11+s1], $0x200, s5, s1, $0x38;
	[tilespmem:$0x6A00] =	vst v63  }
0x2c: {  	s12 =	rddreg [dreg:$0x6];
	s11 =	simm.s32 $0x600  }
0x2d: {  	[tilespmem:s11], [sflag:$0x2] =	stream.strided.gather [hbm4b:s12+s1], $0x200, s5, s1, $0x38;
	[tilespmem:$0x6A00] =	vst v63  }
0x2e: {  	s2 =	rddreg [dreg:$0x7];
	s12 =	simm.s32 $0x800  }
0x2f: {  	[tilespmem:s12], [sflag:$0x2] =	stream.strided.gather [hbm4b:s2+s1], $0x200, s5, s1, $0x38;
	[tilespmem:$0x6A00] =	vst v63  }
0x30: {  	s31 =	simm.s32 $0xA00;
	s3 =	rddreg [dreg:$0x8]  }
0x31: {  	[tilespmem:s31], [sflag:$0x2] =	stream.strided.gather [hbm4b:s3+s1], $0x200, s5, s1, $0x38;
	[tilespmem:$0x6A00] =	vst v63  }
0x32: {  	s2 =	rddreg [dreg:$0x9]  }
0x33: {  	[tilespmem:s13], [sflag:$0x2] =	stream.strided.gather [hbm4b:s2+s1], $0x200, s5, s1, $0x38;
	[tilespmem:$0x6A00] =	vst v63  }
0x34: {  	s3 =	rddreg [dreg:$0xa]  }
0x35: {  	[tilespmem:s14], [sflag:$0x2] =	stream.strided.gather [hbm4b:s3+s1], $0x200, s5, s1, $0x38;
	[tilespmem:$0x6A00] =	vst v63  }
0x36: {  	s2 =	rddreg [dreg:$0xb]  }
0x37: {  	[tilespmem:s15], [sflag:$0x2] =	stream.strided.gather [hbm4b:s2+s1], $0x200, s5, s1, $0x38;
	[tilespmem:$0x6A00] =	vst v63  }
0x38: {  	s3 =	rddreg [dreg:$0xc]  }
0x39: {  	[tilespmem:s16], [sflag:$0x2] =	stream.strided.gather [hbm4b:s3+s1], $0x200, s5, s1, $0x38;
	[tilespmem:$0x6A00] =	vst v63  }
0x3a: {  	s2 =	rddreg [dreg:$0xd]  }
0x3b: {  	[tilespmem:s17], [sflag:$0x2] =	stream.strided.gather [hbm4b:s2+s1], $0x200, s5, s1, $0x38;
	[tilespmem:$0x6A00] =	vst v63  }
0x3c: {  	s3 =	rddreg [dreg:$0xe]  }
0x3d: {  	[tilespmem:s18], [sflag:$0x2] =	stream.strided.gather [hbm4b:s3+s1], $0x200, s5, s1, $0x38;
	[tilespmem:$0x6A00] =	vst v63  }
0x3e: {  	s2 =	rddreg [dreg:$0xf]  }
0x3f: {  	[tilespmem:s19], [sflag:$0x2] =	stream.strided.gather [hbm4b:s2+s1], $0x200, s5, s1, $0x38;
	[tilespmem:$0x6A00] =	vst v63  }
0x40: {  	s3 =	rddreg [dreg:$0x10]  }
0x41: {  	[tilespmem:s20], [sflag:$0x2] =	stream.strided.gather [hbm4b:s3+s1], $0x200, s5, s1, $0x38;
	[tilespmem:$0x6A00] =	vst v63  }
0x42: {  	s2 =	rddreg [dreg:$0x11]  }
0x43: {  	[tilespmem:s21], [sflag:$0x2] =	stream.strided.gather [hbm4b:s2+s1], $0x200, s5, s1, $0x38;
	[tilespmem:$0x6A00] =	vst v63  }
0x44: {  	s3 =	rddreg [dreg:$0x12]  }
0x45: {  	[tilespmem:s22], [sflag:$0x2] =	stream.strided.gather [hbm4b:s3+s1], $0x200, s5, s1, $0x38;
	[tilespmem:$0x6A00] =	vst v63  }
0x46: {  	s2 =	rddreg [dreg:$0x13]  }
0x47: {  	[tilespmem:s23], [sflag:$0x2] =	stream.strided.gather [hbm4b:s2+s1], $0x200, s5, s1, $0x38;
	[tilespmem:$0x6A00] =	vst v63  }
0x48: {  	s3 =	rddreg [dreg:$0x14]  }
0x49: {  	[tilespmem:s24], [sflag:$0x2] =	stream.strided.gather [hbm4b:s3+s1], $0x200, s5, s1, $0x38;
	[tilespmem:$0x6A00] =	vst v63  }
0x4a: {  	s2 =	rddreg [dreg:$0x15]  }
0x4b: {  	[tilespmem:s25], [sflag:$0x2] =	stream.strided.gather [hbm4b:s2+s1], $0x200, s5, s1, $0x38;
	[tilespmem:$0x6A00] =	vst v63  }
0x4c: {  	s3 =	rddreg [dreg:$0x17]  }
0x4d: {  	[tilespmem:s26], [sflag:$0x2] =	stream.strided.gather [hbm4b:s3+s1], $0x200, s5, s1, $0x38;
	[tilespmem:$0x6A00] =	vst v63  }
0x4e: {  	s2 =	rddreg [dreg:$0x19]  }
0x4f: {  	[tilespmem:s7], [sflag:$0x2] =	stream.strided.gather [hbm4b:s2+s1], $0x200, s5, s1, $0x38;
	[tilespmem:$0x6A00] =	vst v63  }
0x50: {  	s3 =	rddreg [dreg:$0x1a]  }
0x51: {  	[tilespmem:s28], [sflag:$0x2] =	stream.strided.gather [hbm4b:s3+s1], $0x200, s5, s1, $0x38;
	[tilespmem:$0x6A00] =	vst v63  }
0x52: {  	s2 =	rddreg [dreg:$0x1b]  }
0x53: {  	[tilespmem:s8], [sflag:$0x2] =	stream.strided.gather [hbm4b:s2+s1], $0x200, s5, s1, $0x38;
	[tilespmem:$0x6A00] =	vst v63  }
0x54: {  	s3 =	rddreg [dreg:$0x1c];
	s2 =	simm.s32 $0x2E00  }
0x55: {  	[tilespmem:s2], [sflag:$0x2] =	stream.strided.gather [hbm4b:s3+s1], $0x200, s5, s1, $0x38;
	[tilespmem:$0x6A00] =	vst v63  }
0x56: {  	s0 =	rddreg [dreg:$0x1d];
	s3 =	simm.s32 $0x3000  }
0x57: {  	[tilespmem:s3], [sflag:$0x2] =	stream.strided.gather [hbm4b:s0+s1], $0x200, s5, s1, $0x38;
	[tilespmem:$0x6A00] =	vst v63  }
0x58: {  	s0 =	rddreg [dreg:$0x1e];
	s3 =	simm.s32 $0x3200  }
0x59: {  	[tilespmem:s3], [sflag:$0x2] =	stream.strided.gather [hbm4b:s0+s1], $0x200, s5, s1, $0x38;
	[tilespmem:$0x6A00] =	vst v63  }
0x5a: {  	_ =	swait.ge [sflag:s29], $0x200  }
0x5b: {  	[sflag:s29] =	ssyncset.done $0x0  }
0x5c: {  	s0 =	simm.s32 $0x3400;
	[sflag:s29] =	ssyncadd.s32 $0xFFFFFE00  }
0x5d: {  	[tilespmem:s0], [sflag:$0x1] =	stream.indirect.gather [hbm4b:s4+s6], $0x1, s30, s6, $0xb8;
	[tilespmem:$0x6A00] =	vst v63  }
0x5e: {  	_ =	swait.ge [sflag:s29], $0x200  }
0x5f: {  	[sflag:s29] =	ssyncset.done $0x0  }
0x60: {  	s0 =	simm.s32 $0x3600;
	[sflag:s29] =	ssyncadd.s32 $0xFFFFFE00  }
0x61: {  	[tilespmem:s0], [sflag:$0x1] =	stream.indirect.gather [hbm4b:s4+s6], $0x1, s6, s6, $0xb8;
	[tilespmem:$0x6A00] =	vst v63  }
0x62: {  	_ =	swait.ge [sflag:s29], $0x200  }
0x63: {  	[sflag:s29] =	ssyncset.done $0x0  }
0x64: {  	s0 =	simm.s32 $0x3800;
	[sflag:s29] =	ssyncadd.s32 $0xFFFFFE00  }
0x65: {  	[tilespmem:s0], [sflag:$0x1] =	stream.indirect.gather [hbm4b:s4+s6], $0x1, s5, s6, $0xb8;
	[tilespmem:$0x6A00] =	vst v63  }
0x66: {  	_ =	swait.ge [sflag:s29], $0x200  }
0x67: {  	[sflag:s29] =	ssyncset.done $0x0  }
0x68: {  	s0 =	simm.s32 $0x3A00;
	[sflag:s29] =	ssyncadd.s32 $0xFFFFFE00  }
0x69: {  	[tilespmem:s0], [sflag:$0x1] =	stream.indirect.gather [hbm4b:s4+s6], $0x1, s11, s6, $0xb8;
	[tilespmem:$0x6A00] =	vst v63  }
0x6a: {  	_ =	swait.ge [sflag:s29], $0x200  }
0x6b: {  	[sflag:s29] =	ssyncset.done $0x0  }
0x6c: {  	s11 =	simm.s32 $0x3C00;
	[sflag:s29] =	ssyncadd.s32 $0xFFFFFE00  }
0x6d: {  	[tilespmem:s11], [sflag:$0x1] =	stream.indirect.gather [hbm4b:s4+s6], $0x1, s12, s6, $0xb8;
	[tilespmem:$0x6A00] =	vst v63  }
0x6e: {  	_ =	swait.ge [sflag:s29], $0x200  }
0x6f: {  	[sflag:s29] =	ssyncset.done $0x0  }
0x70: {  	s12 =	simm.s32 $0x3E00;
	[sflag:s29] =	ssyncadd.s32 $0xFFFFFE00  }
0x71: {  	[tilespmem:s12], [sflag:$0x1] =	stream.indirect.gather [hbm4b:s4+s6], $0x1, s31, s6, $0xb8;
	[tilespmem:$0x6A00] =	vst v63  }
0x72: {  	_ =	swait.ge [sflag:s29], $0x200  }
0x73: {  	[sflag:s29] =	ssyncset.done $0x0  }
0x74: {  	s11 =	simm.s32 $0x4000;
	[sflag:s29] =	ssyncadd.s32 $0xFFFFFE00  }
0x75: {  	[tilespmem:s11], [sflag:$0x1] =	stream.indirect.gather [hbm4b:s4+s6], $0x1, s13, s6, $0xb8;
	[tilespmem:$0x6A00] =	vst v63  }
0x76: {  	_ =	swait.ge [sflag:s29], $0x200  }
0x77: {  	[sflag:s29] =	ssyncset.done $0x0  }
0x78: {  	s12 =	simm.s32 $0x4200;
	[sflag:s29] =	ssyncadd.s32 $0xFFFFFE00  }
0x79: {  	[tilespmem:s12], [sflag:$0x1] =	stream.indirect.gather [hbm4b:s4+s6], $0x1, s14, s6, $0xb8;
	[tilespmem:$0x6A00] =	vst v63  }
0x7a: {  	_ =	swait.ge [sflag:s29], $0x200  }
0x7b: {  	[sflag:s29] =	ssyncset.done $0x0  }
0x7c: {  	s11 =	simm.s32 $0x4400;
	[sflag:s29] =	ssyncadd.s32 $0xFFFFFE00  }
0x7d: {  	[tilespmem:s11], [sflag:$0x1] =	stream.indirect.gather [hbm4b:s4+s6], $0x1, s15, s6, $0xb8;
	[tilespmem:$0x6A00] =	vst v63  }
0x7e: {  	_ =	swait.ge [sflag:s29], $0x200  }
0x7f: {  	[sflag:s29] =	ssyncset.done $0x0  }
0x80: {  	s12 =	simm.s32 $0x4600;
	[sflag:s29] =	ssyncadd.s32 $0xFFFFFE00  }
0x81: {  	[tilespmem:s12], [sflag:$0x1] =	stream.indirect.gather [hbm4b:s4+s6], $0x1, s16, s6, $0xb8;
	[tilespmem:$0x6A00] =	vst v63  }
0x82: {  	_ =	swait.ge [sflag:s29], $0x200  }
0x83: {  	[sflag:s29] =	ssyncset.done $0x0  }
0x84: {  	s11 =	simm.s32 $0x4800;
	[sflag:s29] =	ssyncadd.s32 $0xFFFFFE00  }
0x85: {  	[tilespmem:s11], [sflag:$0x1] =	stream.indirect.gather [hbm4b:s4+s6], $0x1, s17, s6, $0xb8;
	[tilespmem:$0x6A00] =	vst v63  }
0x86: {  	_ =	swait.ge [sflag:s29], $0x200  }
0x87: {  	[sflag:s29] =	ssyncset.done $0x0  }
0x88: {  	s12 =	simm.s32 $0x4A00;
	[sflag:s29] =	ssyncadd.s32 $0xFFFFFE00  }
0x89: {  	[tilespmem:s12], [sflag:$0x1] =	stream.indirect.gather [hbm4b:s4+s6], $0x1, s18, s6, $0xb8;
	[tilespmem:$0x6A00] =	vst v63  }
0x8a: {  	_ =	swait.ge [sflag:s29], $0x200  }
0x8b: {  	[sflag:s29] =	ssyncset.done $0x0  }
0x8c: {  	s11 =	simm.s32 $0x4C00;
	[sflag:s29] =	ssyncadd.s32 $0xFFFFFE00  }
0x8d: {  	[tilespmem:s11], [sflag:$0x1] =	stream.indirect.gather [hbm4b:s4+s6], $0x1, s19, s6, $0xb8;
	[tilespmem:$0x6A00] =	vst v63  }
0x8e: {  	_ =	swait.ge [sflag:s29], $0x200  }
0x8f: {  	[sflag:s29] =	ssyncset.done $0x0  }
0x90: {  	s12 =	simm.s32 $0x4E00;
	[sflag:s29] =	ssyncadd.s32 $0xFFFFFE00  }
0x91: {  	[tilespmem:s12], [sflag:$0x1] =	stream.indirect.gather [hbm4b:s4+s6], $0x1, s20, s6, $0xb8;
	[tilespmem:$0x6A00] =	vst v63  }
0x92: {  	_ =	swait.ge [sflag:s29], $0x200  }
0x93: {  	[sflag:s29] =	ssyncset.done $0x0  }
0x94: {  	s11 =	simm.s32 $0x5000;
	[sflag:s29] =	ssyncadd.s32 $0xFFFFFE00  }
0x95: {  	[tilespmem:s11], [sflag:$0x1] =	stream.indirect.gather [hbm4b:s4+s6], $0x1, s21, s6, $0xb8;
	[tilespmem:$0x6A00] =	vst v63  }
0x96: {  	_ =	swait.ge [sflag:s29], $0x200  }
0x97: {  	[sflag:s29] =	ssyncset.done $0x0  }
0x98: {  	s12 =	simm.s32 $0x5200;
	[sflag:s29] =	ssyncadd.s32 $0xFFFFFE00  }
0x99: {  	[tilespmem:s12], [sflag:$0x1] =	stream.indirect.gather [hbm4b:s4+s6], $0x1, s22, s6, $0xb8;
	[tilespmem:$0x6A00] =	vst v63  }
0x9a: {  	_ =	swait.ge [sflag:s29], $0x200  }
0x9b: {  	[sflag:s29] =	ssyncset.done $0x0  }
0x9c: {  	s11 =	simm.s32 $0x5400;
	[sflag:s29] =	ssyncadd.s32 $0xFFFFFE00  }
0x9d: {  	[tilespmem:s11], [sflag:$0x1] =	stream.indirect.gather [hbm4b:s4+s6], $0x1, s23, s6, $0xb8;
	[tilespmem:$0x6A00] =	vst v63  }
0x9e: {  	_ =	swait.ge [sflag:s29], $0x200  }
0x9f: {  	[sflag:s29] =	ssyncset.done $0x0  }
0xa0: {  	s12 =	simm.s32 $0x5600;
	[sflag:s29] =	ssyncadd.s32 $0xFFFFFE00  }
0xa1: {  	[tilespmem:s12], [sflag:$0x1] =	stream.indirect.gather [hbm4b:s4+s6], $0x1, s24, s6, $0xb8;
	[tilespmem:$0x6A00] =	vst v63  }
0xa2: {  	_ =	swait.ge [sflag:s29], $0x200  }
0xa3: {  	[sflag:s29] =	ssyncset.done $0x0  }
0xa4: {  	s11 =	simm.s32 $0x5800;
	[sflag:s29] =	ssyncadd.s32 $0xFFFFFE00  }
0xa5: {  	[tilespmem:s11], [sflag:$0x1] =	stream.indirect.gather [hbm4b:s4+s6], $0x1, s25, s6, $0xb8;
	[tilespmem:$0x6A00] =	vst v63  }
0xa6: {  	_ =	swait.ge [sflag:s29], $0x200  }
0xa7: {  	[sflag:s29] =	ssyncset.done $0x0  }
0xa8: {  	s12 =	simm.s32 $0x5A00;
	[sflag:s29] =	ssyncadd.s32 $0xFFFFFE00  }
0xa9: {  	[tilespmem:s12], [sflag:$0x1] =	stream.indirect.gather [hbm4b:s4+s6], $0x1, s26, s6, $0xb8;
	[tilespmem:$0x6A00] =	vst v63  }
0xaa: {  	_ =	swait.ge [sflag:s29], $0x200  }
0xab: {  	[sflag:s29] =	ssyncset.done $0x0  }
0xac: {  	s11 =	simm.s32 $0x5C00;
	[sflag:s29] =	ssyncadd.s32 $0xFFFFFE00  }
0xad: {  	[tilespmem:s11], [sflag:$0x1] =	stream.indirect.gather [hbm4b:s4+s6], $0x1, s7, s6, $0xb8;
	[tilespmem:$0x6A00] =	vst v63  }
0xae: {  	_ =	swait.ge [sflag:s29], $0x200  }
0xaf: {  	[sflag:s29] =	ssyncset.done $0x0  }
0xb0: {  	s12 =	simm.s32 $0x5E00;
	[sflag:s29] =	ssyncadd.s32 $0xFFFFFE00  }
0xb1: {  	[tilespmem:s12], [sflag:$0x1] =	stream.indirect.gather [hbm4b:s4+s6], $0x1, s28, s6, $0xb8;
	[tilespmem:$0x6A00] =	vst v63  }
0xb2: {  	_ =	swait.ge [sflag:s29], $0x200  }
0xb3: {  	[sflag:s29] =	ssyncset.done $0x0  }
0xb4: {  	s11 =	simm.s32 $0x6000;
	[sflag:s29] =	ssyncadd.s32 $0xFFFFFE00  }
0xb5: {  	[tilespmem:s11], [sflag:$0x1] =	stream.indirect.gather [hbm4b:s4+s6], $0x1, s8, s6, $0xb8;
	[tilespmem:$0x6A00] =	vst v63  }
0xb6: {  	_ =	swait.ge [sflag:s29], $0x200  }
0xb7: {  	[sflag:s29] =	ssyncset.done $0x0  }
0xb8: {  	s12 =	simm.s32 $0x6200;
	[sflag:s29] =	ssyncadd.s32 $0xFFFFFE00  }
0xb9: {  	[tilespmem:s12], [sflag:$0x1] =	stream.indirect.gather [hbm4b:s4+s6], $0x1, s2, s6, $0xb8;
	[tilespmem:$0x6A00] =	vst v63  }
0xba: {  	_ =	swait.ge [sflag:s29], $0x200  }
0xbb: {  	[sflag:s29] =	ssyncset.done $0x0  }
0xbc: {  	s11 =	simm.s32 $0x3000;
	s2 =	simm.s32 $0x6400;
	[sflag:s29] =	ssyncadd.s32 $0xFFFFFE00  }
0xbd: {  	[tilespmem:s2], [sflag:$0x1] =	stream.indirect.gather [hbm4b:s4+s6], $0x1, s11, s6, $0xb8;
	[tilespmem:$0x6A00] =	vst v63  }
0xbe: {  	_ =	swait.ge [sflag:s29], $0x200  }
0xbf: {  	[sflag:s29] =	ssyncset.done $0x0  }
0xc0: {  	s3 =	simm.s32 $0x3200;
	s12 =	simm.s32 $0x6600;
	[sflag:s29] =	ssyncadd.s32 $0xFFFFFE00  }
0xc1: {  	[tilespmem:s12], [sflag:$0x1] =	stream.indirect.gather [hbm4b:s4+s6], $0x1, s3, s6, $0xb8;
	[tilespmem:$0x6A00] =	vst v63  }
0xc2: {  	_ =	swait.ge [sflag:s9], $0x200  }
0xc3: {  	[sflag:s9] =	ssyncset.done $0x0  }
0xc4: {  	[sflag:s9] =	ssyncadd.s32 $0xFFFFFE00  }
0xc5: {  	_ =	swait.ge [sflag:s9], $0x200  }
0xc6: {  	[sflag:s9] =	ssyncset.done $0x0  }
0xc7: {  	[sflag:s9] =	ssyncadd.s32 $0xFFFFFE00  }
0xc8: {  	_ =	swait.ge [sflag:s9], $0x200  }
0xc9: {  	[sflag:s9] =	ssyncset.done $0x0  }
0xca: {  	[sflag:s9] =	ssyncadd.s32 $0xFFFFFE00  }
0xcb: {  	_ =	swait.ge [sflag:s9], $0x200  }
0xcc: {  	[sflag:s9] =	ssyncset.done $0x0  }
0xcd: {  	[sflag:s9] =	ssyncadd.s32 $0xFFFFFE00  }
0xce: {  	_ =	swait.ge [sflag:s9], $0x200  }
0xcf: {  	[sflag:s9] =	ssyncset.done $0x0  }
0xd0: {  	[sflag:s9] =	ssyncadd.s32 $0xFFFFFE00  }
0xd1: {  	_ =	swait.ge [sflag:s9], $0x200  }
0xd2: {  	[sflag:s9] =	ssyncset.done $0x0  }
0xd3: {  	[sflag:s9] =	ssyncadd.s32 $0xFFFFFE00  }
0xd4: {  	_ =	swait.ge [sflag:s9], $0x200  }
0xd5: {  	[sflag:s9] =	ssyncset.done $0x0  }
0xd6: {  	[sflag:s9] =	ssyncadd.s32 $0xFFFFFE00  }
0xd7: {  	_ =	swait.ge [sflag:s9], $0x200  }
0xd8: {  	[sflag:s9] =	ssyncset.done $0x0  }
0xd9: {  	[sflag:s9] =	ssyncadd.s32 $0xFFFFFE00  }
0xda: {  	_ =	swait.ge [sflag:s9], $0x200  }
0xdb: {  	[sflag:s9] =	ssyncset.done $0x0  }
0xdc: {  	[sflag:s9] =	ssyncadd.s32 $0xFFFFFE00  }
0xdd: {  	_ =	swait.ge [sflag:s9], $0x200  }
0xde: {  	[sflag:s9] =	ssyncset.done $0x0  }
0xdf: {  	[sflag:s9] =	ssyncadd.s32 $0xFFFFFE00  }
0xe0: {  	_ =	swait.ge [sflag:s9], $0x200  }
0xe1: {  	[sflag:s9] =	ssyncset.done $0x0  }
0xe2: {  	[sflag:s9] =	ssyncadd.s32 $0xFFFFFE00  }
0xe3: {  	_ =	swait.ge [sflag:s9], $0x200  }
0xe4: {  	[sflag:s9] =	ssyncset.done $0x0  }
0xe5: {  	[sflag:s9] =	ssyncadd.s32 $0xFFFFFE00  }
0xe6: {  	_ =	swait.ge [sflag:s9], $0x200  }
0xe7: {  	[sflag:s9] =	ssyncset.done $0x0  }
0xe8: {  	s0 =	simm.s32 $0x0;
	[sflag:s9] =	ssyncadd.s32 $0xFFFFFE00  }
0xe9: {  	v0 =	vld [tilespmem:s0+$0x3400]  }
0xea: {  	v1 =	vld [tilespmem:s0+$0x3600];
	_ =	sdelay $0x1  }
0xeb: {  	v2 =	vld [tilespmem:s0+$0x3800];
	_ =	sdelay $0x1  }
0xec: {  	v3 =	vld [tilespmem:s0+$0x3A00]  }
0xed: {  	v0 =	vadd.f32 v1, v0  }
0xee: {  	v1 =	vld [tilespmem:s0+$0x3C00]  }
0xef: {  	v0 =	vadd.f32 v2, v0  }
0xf0: {  	v2 =	vld [tilespmem:s0+$0x3E00]  }
0xf1: {  	v0 =	vadd.f32 v3, v0  }
0xf2: {  	s31 =	simm.s32 $0x10;
	v3 =	vld [tilespmem:s0+$0x4000]  }
0xf3: {  	v4 =	vld [tilespmem:s31+$0x3400];
	v0 =	vadd.f32 v1, v0  }
0xf4: {  	v1 =	vld [tilespmem:s0+$0x4200]  }
0xf5: {  	v5 =	vld [tilespmem:s31+$0x3600];
	v0 =	vadd.f32 v2, v0  }
0xf6: {  	v2 =	vld [tilespmem:s0+$0x4400]  }
0xf7: {  	v6 =	vld [tilespmem:s31+$0x3800];
	v0 =	vadd.f32 v3, v0  }
0xf8: {  	v3 =	vld [tilespmem:s0+$0x4600]  }
0xf9: {  	v7 =	vld [tilespmem:s31+$0x3A00];
	v0 =	vadd.f32 v1, v0  }
0xfa: {  	v4 =	vadd.f32 v5, v4;
	v1 =	vld [tilespmem:s0+$0x4800]  }
0xfb: {  	v5 =	vld [tilespmem:s31+$0x3C00];
	v0 =	vadd.f32 v2, v0  }
0xfc: {  	v8 =	vld [tilespmem:s0+$0x4A00];
	v6 =	vadd.f32 v6, v4  }
0xfd: {  	v2 =	vld [tilespmem:s31+$0x3E00];
	v0 =	vadd.f32 v3, v0  }
0xfe: {  	v4 =	vld [tilespmem:s0+$0x4C00];
	v6 =	vadd.f32 v7, v6  }
0xff: {  	v3 =	vld [tilespmem:s31+$0x4000];
	v7 =	vadd.f32 v1, v0  }
0x100: {  	s11 =	simm.s32 $0x20;
	v5 =	vadd.f32 v5, v6;
	v0 =	vld [tilespmem:s31+$0x4200]  }
0x101: {  	s12 =	simm.s32 $0xC0;
	v1 =	vld [tilespmem:s11+$0x3400];
	v6 =	vadd.f32 v8, v7  }
.LBB2_2:
0x102: {  	p0 =	sne.s32 s12, $0x7C0;
	v7 =	vld [tilespmem:s11+$0x3600];
	v2 =	vadd.f32 v2, v5  }
0x103: {  	v5 =	vld [tilespmem:s31+$0x4400];
	v4 =	vadd.f32 v4, v6  }
0x104: {  	v6 =	vld [tilespmem:s11+$0x3800];
	v2 =	vadd.f32 v3, v2  }
0x105: {  	v3 =	vld [tilespmem:s31+$0x4600];
	[tilespmem:s0+$0x6800] =	vst v4;
	s0 =	smov.u32 s31;
	s31 =	smov.u32 s11  }
0x106: {  	v4 =	vld [tilespmem:s31+$0x3A00];
	v0 =	vadd.f32 v0, v2  }
0x107: {  	v1 =	vadd.f32 v7, v1;
	v7 =	vld [tilespmem:s0+$0x4800]  }
0x108: {  	v8 =	vld [tilespmem:s31+$0x3C00];
	v0 =	vadd.f32 v5, v0  }
0x109: {  	v1 =	vadd.f32 v6, v1;
	v6 =	vld [tilespmem:s0+$0x4A00]  }
.Ltmp0:
0x10a: {  	v2 =	vld [tilespmem:s31+$0x3E00];
	v0 =	vadd.f32 v3, v0;
	(pc) =	sbr.rel @p0 .LBB2_2-.Ltmp0, $4  }
0x10b: {  	v1 =	vadd.f32 v4, v1;
	v4 =	vld [tilespmem:s0+$0x4C00]  }
0x10c: {  	v3 =	vld [tilespmem:s31+$0x4000];
	v7 =	vadd.f32 v7, v0  }
0x10d: {  	s11 =	sshra.s32 s12, $0x2;
	v5 =	vadd.f32 v8, v1;
	v0 =	vld [tilespmem:s31+$0x4200]  }
0x10e: {  	s12 =	sadd.s32 $0x40, s12;
	v1 =	vld [tilespmem:s11+$0x3400];
	v6 =	vadd.f32 v6, v7  }
0x10f: {  	v7 =	vld [tilespmem:s11+$0x3600]  }
0x110: {  	v8 =	vld [tilespmem:s31+$0x4400];
	v2 =	vadd.f32 v2, v5;
	v4 =	vadd.f32 v4, v6  }
0x111: {  	v58 =	vld [tilespmem:s11+$0x3800]  }
0x112: {  	v59 =	vld [tilespmem:s31+$0x4600];
	v2 =	vadd.f32 v3, v2;
	[tilespmem:s0+$0x6800] =	vst v4  }
0x113: {  	v3 =	vld [tilespmem:s11+$0x3A00]  }
0x114: {  	v0 =	vadd.f32 v0, v2;
	v2 =	vld [tilespmem:s31+$0x4800];
	v1 =	vadd.f32 v7, v1  }
0x115: {  	v4 =	vld [tilespmem:s11+$0x3C00]  }
0x116: {  	v60 =	vld [tilespmem:s31+$0x4A00];
	v0 =	vadd.f32 v8, v0;
	v1 =	vadd.f32 v58, v1  }
0x117: {  	v61 =	vld [tilespmem:s11+$0x3E00]  }
0x118: {  	v62 =	vld [tilespmem:s11+$0x4000];
	v0 =	vadd.f32 v59, v0;
	v1 =	vadd.f32 v3, v1  }
0x119: {  	v3 =	vld [tilespmem:s31+$0x4C00]  }
0x11a: {  	v0 =	vadd.f32 v2, v0;
	v1 =	vadd.f32 v4, v1  }
0x11b: {  	v2 =	vld [tilespmem:s11+$0x4200]  }
0x11c: {  	v0 =	vadd.f32 v60, v0;
	v1 =	vadd.f32 v61, v1  }
0x11d: {  	v63 =	vld [tilespmem:s11+$0x4400]  }
0x11e: {  	v0 =	vadd.f32 v3, v0;
	v1 =	vadd.f32 v62, v1  }
0x11f: {  	v3 =	vld [tilespmem:s11+$0x4600]  }
0x120: {  	[tilespmem:s31+$0x6800] =	vst v0;
	v0 =	vadd.f32 v2, v1  }
0x121: {  	v1 =	vld [tilespmem:s11+$0x4800]  }
0x122: {  	v0 =	vadd.f32 v63, v0  }
0x123: {  	v2 =	vld [tilespmem:s11+$0x4A00]  }
0x124: {  	v0 =	vadd.f32 v3, v0  }
0x125: {  	v3 =	vld [tilespmem:s11+$0x4C00]  }
0x126: {  	v0 =	vadd.f32 v1, v0;
	_ =	sdelay $0x1  }
0x127: {  	v0 =	vadd.f32 v2, v0;
	_ =	sdelay $0x1  }
0x128: {  	v0 =	vadd.f32 v3, v0;
	_ =	sdelay $0x1  }
0x129: {  	[tilespmem:s11+$0x6800] =	vst v0  }
0x12a: {  	_ =	swait.ge [sflag:s9], $0x200  }
0x12b: {  	[sflag:s9] =	ssyncset.done $0x0  }
0x12c: {  	[sflag:s9] =	ssyncadd.s32 $0xFFFFFE00  }
0x12d: {  	_ =	swait.ge [sflag:s9], $0x200  }
0x12e: {  	[sflag:s9] =	ssyncset.done $0x0  }
0x12f: {  	[sflag:s9] =	ssyncadd.s32 $0xFFFFFE00  }
0x130: {  	_ =	swait.ge [sflag:s9], $0x200  }
0x131: {  	[sflag:s9] =	ssyncset.done $0x0  }
0x132: {  	[sflag:s9] =	ssyncadd.s32 $0xFFFFFE00  }
0x133: {  	_ =	swait.ge [sflag:s9], $0x200  }
0x134: {  	[sflag:s9] =	ssyncset.done $0x0  }
0x135: {  	[sflag:s9] =	ssyncadd.s32 $0xFFFFFE00  }
0x136: {  	_ =	swait.ge [sflag:s9], $0x200  }
0x137: {  	[sflag:s9] =	ssyncset.done $0x0  }
0x138: {  	[sflag:s9] =	ssyncadd.s32 $0xFFFFFE00  }
0x139: {  	_ =	swait.ge [sflag:s9], $0x200  }
0x13a: {  	[sflag:s9] =	ssyncset.done $0x0  }
0x13b: {  	[sflag:s9] =	ssyncadd.s32 $0xFFFFFE00  }
0x13c: {  	_ =	swait.ge [sflag:s9], $0x200  }
0x13d: {  	[sflag:s9] =	ssyncset.done $0x0  }
0x13e: {  	[sflag:s9] =	ssyncadd.s32 $0xFFFFFE00  }
0x13f: {  	_ =	swait.ge [sflag:s9], $0x200  }
0x140: {  	[sflag:s9] =	ssyncset.done $0x0  }
0x141: {  	[sflag:s9] =	ssyncadd.s32 $0xFFFFFE00  }
0x142: {  	_ =	swait.ge [sflag:s9], $0x200  }
0x143: {  	[sflag:s9] =	ssyncset.done $0x0  }
0x144: {  	[sflag:s9] =	ssyncadd.s32 $0xFFFFFE00  }
0x145: {  	_ =	swait.ge [sflag:s9], $0x200  }
0x146: {  	[sflag:s9] =	ssyncset.done $0x0  }
0x147: {  	[sflag:s9] =	ssyncadd.s32 $0xFFFFFE00  }
0x148: {  	_ =	swait.ge [sflag:s9], $0x200  }
0x149: {  	[sflag:s9] =	ssyncset.done $0x0  }
0x14a: {  	[sflag:s9] =	ssyncadd.s32 $0xFFFFFE00  }
0x14b: {  	_ =	swait.ge [sflag:s9], $0x200  }
0x14c: {  	[sflag:s9] =	ssyncset.done $0x0  }
0x14d: {  	[sflag:s9] =	ssyncadd.s32 $0xFFFFFE00  }
0x14e: {  	_ =	swait.ge [sflag:s9], $0x200  }
0x14f: {  	[sflag:s9] =	ssyncset.done $0x0  }
0x150: {  	s31 =	simm.s32 $0x0;
	[sflag:s9] =	ssyncadd.s32 $0xFFFFFE00  }
0x151: {  	s0 =	simm.s32 $0x40;
	v0 =	vld [tilespmem:s31+$0x4E00]  }
.LBB2_4:
0x152: {  	p0 =	sne.s32 s0, $0x7C0;
	v1 =	vld [tilespmem:s31+$0x6800];
	_ =	sdelay $0x1  }
0x153: {  	v2 =	vld [tilespmem:s31+$0x5000];
	_ =	sdelay $0x1  }
0x154: {  	v3 =	vld [tilespmem:s31+$0x5200]  }
0x155: {  	v0 =	vadd.f32 v0, v1  }
0x156: {  	v1 =	vld [tilespmem:s31+$0x5400]  }
0x157: {  	v0 =	vadd.f32 v2, v0  }
0x158: {  	v2 =	vld [tilespmem:s31+$0x5600]  }
0x159: {  	v0 =	vadd.f32 v3, v0  }
0x15a: {  	v3 =	vld [tilespmem:s31+$0x5800]  }
0x15b: {  	v0 =	vadd.f32 v1, v0  }
0x15c: {  	v1 =	vld [tilespmem:s31+$0x5A00]  }
0x15d: {  	v0 =	vadd.f32 v2, v0  }
0x15e: {  	v2 =	vld [tilespmem:s31+$0x5C00]  }
0x15f: {  	v0 =	vadd.f32 v3, v0  }
0x160: {  	v3 =	vld [tilespmem:s31+$0x5E00]  }
0x161: {  	v0 =	vadd.f32 v1, v0  }
0x162: {  	v1 =	vld [tilespmem:s31+$0x6000]  }
0x163: {  	v0 =	vadd.f32 v2, v0  }
0x164: {  	v2 =	vld [tilespmem:s31+$0x6200]  }
0x165: {  	v0 =	vadd.f32 v3, v0  }
0x166: {  	v3 =	vld [tilespmem:s31+$0x6400]  }
0x167: {  	v0 =	vadd.f32 v1, v0  }
0x168: {  	v1 =	vld [tilespmem:s31+$0x6600]  }
0x169: {  	v0 =	vadd.f32 v2, v0;
	_ =	sdelay $0x1  }
.Ltmp1:
0x16a: {  	v0 =	vadd.f32 v3, v0;
	(pc) =	sbr.rel @p0 .LBB2_4-.Ltmp1, $4  }
0x16b: {  	_ = 	snop  }
0x16c: {  	v1 =	vadd.f32 v1, v0  }
0x16d: {  	s11 =	sshra.s32 s0, $0x2  }
0x16e: {  	s0 =	sadd.s32 $0x40, s0;
	v0 =	vld [tilespmem:s11+$0x4E00];
	[tilespmem:s31+$0x6800] =	vst v1;
	s31 =	smov.u32 s11  }
0x16f: {  	v1 =	vld [tilespmem:s31+$0x6800];
	_ =	sdelay $0x1  }
0x170: {  	v2 =	vld [tilespmem:s31+$0x5000];
	_ =	sdelay $0x1  }
0x171: {  	v3 =	vld [tilespmem:s31+$0x5200]  }
0x172: {  	v0 =	vadd.f32 v0, v1  }
0x173: {  	v54 =	vld [tilespmem:s31+$0x5400]  }
0x174: {  	v0 =	vadd.f32 v2, v0  }
0x175: {  	v55 =	vld [tilespmem:s31+$0x5600]  }
0x176: {  	v0 =	vadd.f32 v3, v0  }
0x177: {  	v56 =	vld [tilespmem:s31+$0x5800]  }
0x178: {  	v0 =	vadd.f32 v54, v0  }
0x179: {  	v57 =	vld [tilespmem:s31+$0x5A00]  }
0x17a: {  	v0 =	vadd.f32 v55, v0  }
0x17b: {  	v58 =	vld [tilespmem:s31+$0x5C00]  }
0x17c: {  	v0 =	vadd.f32 v56, v0  }
0x17d: {  	v59 =	vld [tilespmem:s31+$0x5E00]  }
0x17e: {  	v0 =	vadd.f32 v57, v0  }
0x17f: {  	v60 =	vld [tilespmem:s31+$0x6000]  }
0x180: {  	v0 =	vadd.f32 v58, v0  }
0x181: {  	v61 =	vld [tilespmem:s31+$0x6200]  }
0x182: {  	v0 =	vadd.f32 v59, v0  }
0x183: {  	v62 =	vld [tilespmem:s31+$0x6400]  }
0x184: {  	v0 =	vadd.f32 v60, v0  }
0x185: {  	v63 =	vld [tilespmem:s31+$0x6600]  }
0x186: {  	v0 =	vadd.f32 v61, v0;
	_ =	sdelay $0x1  }
0x187: {  	v0 =	vadd.f32 v62, v0;
	_ =	sdelay $0x1  }
0x188: {  	v0 =	vadd.f32 v63, v0  }
0x189: {  	s0 =	rddreg [dreg:$0x16]  }
0x18a: {  	s2 =	simm.s32 $0x0;
	s3 =	simm.s32 $0x6800;
	s12 =	simm.s32 $0x3;
	[tilespmem:s31+$0x6800] =	vst v0  }
0x18b: {  	[hbm4b:s0+s2] =	stream.linear.scatter [tilespmem:s3], [sflag:$0x3], $0x200, $0x38;
	[tilespmem:$0x6A00] =	vst v63  }
0x18c: {  	_ =	swait.ge [sflag:s12], $0x200  }
0x18d: {  	s10 =	sadd.s32 $0x1, s10;
	s31 =	rddreg [dreg:$0x18]  }
0x18e: {  	p0 =	sne.s32 s10, s31  }
.Ltmp2:
0x18f: {  	_ = 	snop;
	(pc) =	sbr.rel @p0 .LBB2_1-.Ltmp2, $3  }
0x190: {  	_ =	sdelay $0x1  }
0x191: {  	[sflag:s12] =	ssyncset.done $0x0  }
0x192: {  	[sflag:s12] =	ssyncadd.s32 $0xFFFFFE00  }
0x193: {  	_ =	sfence.sel $0x180000  }
0x194: {  	[bflag:$0x0] =	sbarrier.arrive $0xFFFF  }
0x195: {  	_ =	strace $0x90000047  }
0x196: {  	s0 =	stileid.u32;
	[bflag:$0x2] =	sbarrier.arrive $0xFFFF  }
0x197: {  	p0 =	sne.s32 s0, $0x0;
	s0 =	rddreg [dreg:$0x3]  }
0x198: {  	s0 =	sadd.s32 @!p0 $0x100000, s0  }
0x199: {  	[sflag:s0] =	ssyncadd.tile.s32 @!p0 $0x1;
	_ =	shalt  }
.Lfunc_end2:
_tile_overlayer_lowered:
.L_overlay_start_2:
0x19a: {  	(tag) =	ssettag $0x2  }
0x19b: {  	s0 =	rddreg [dreg:$0x0];
	s2 =	stileid.u32  }
0x19c: {  	s1 =	rddreg [dreg:$0x1];
	p0 =	sne.s32 s2, $0x0  }
0x19d: {  	s3 =	rddreg [dreg:$0x2];
	[bflag:$0x3] =	sbarrier.arrive $0xFFFF;
	s2 =	simm.s32 @!p0 $0x1C03  }
0x19e: {  	[timem:s3], [sflag:s2] =	dma.local @!p0 [hbm:s0], s1  }
0x19f: {  	s0 =	simm.s32 @!p0 $0x3  }
0x1a0: {  	_ =	swait.ge @!p0 [sflag:s0], s1  }
0x1a1: {  	s1 =	ssub.s32 @!p0 $0x0, s1;
	[sflag:s0] =	ssyncset.done @!p0 $0x0  }
0x1a2: {  	[sflag:s0] =	ssyncadd.s32 @!p0 s1  }
0x1a3: {  	[bflag:$0x3] =	sbarrier.arrive $0xFFFF  }
0x1a4: {  	_ =	shalt  }

</sc_bundles>
